<compile_context>
chip_gen: v7x
topology: tpu7x:2x2x1
jax: 0.10.2.dev20260603
libtpu: 0.0.44.dev20260713+nightly
codegen_flags: <defaults>
</compile_context>

<pallas_src>
import functools

import jax
import jax.numpy as jnp
from jax import lax
from jax.experimental import pallas as pl
from jax.experimental.pallas import tpu as pltpu
from jax.experimental.pallas import tpu_sc as plsc

_NC = 2
_NS = 16
_NW = _NC * _NS

_B = 4096
_L = 50
_D = 128
_C = 32
_ROWS = _B // _NW
_CL = 128
_NCHUNK = _ROWS * _L // _CL
_ACC_ROWS = _NS * _ROWS
_NBUF = 4



def _pool_body(x_ref, dst_ref, tab_ref, out_ref, idx_v, dst_v, gbufs,
               acc_ref, gsems, ssems):
    c = lax.axis_index("c")
    s = lax.axis_index("s")
    wid = c * _NS + s
    gbase = wid * _ROWS
    lbase = s * _ROWS

    pltpu.sync_copy(x_ref.at[wid], idx_v)
    pltpu.sync_copy(dst_ref.at[s], dst_v)

    zero = jnp.zeros((16,), jnp.float32)

    def gen_zero(r, carry):
        for k in range(_D // 16):
            gbufs[0][r, pl.ds(16 * k, 16)] = zero
        return carry

    lax.fori_loop(0, _CL, gen_zero, 0)
    pltpu.sync_copy(gbufs[0], acc_ref.at[pl.ds(lbase, _ROWS)])

    def gather_chunk(j, slot):
        pltpu.async_copy(tab_ref.at[idx_v.at[j]], gbufs[slot], gsems[slot])

    def scatter_chunk(j, slot):
        pltpu.async_copy(gbufs[slot], acc_ref.at[dst_v.at[j]], ssems[slot],
                         priority=1, add=True)

    def wait_gather(slot):
        pltpu.make_async_copy(tab_ref.at[idx_v.at[0]], gbufs[slot],
                              gsems[slot]).wait()

    def wait_scatter(slot):
        pltpu.make_async_copy(gbufs[slot], acc_ref.at[pl.ds(0, _CL)],
                              ssems[slot]).wait()

    for j in range(2):
        gather_chunk(j, j)
    for j in range(2):
        wait_gather(j)
        scatter_chunk(j, j)
        gather_chunk(j + 2, j + 2)

    def body4(g, carry):
        j0 = 2 + _NBUF * g
        for q in range(_NBUF):
            j = j0 + q
            p = (2 + q) % _NBUF
            wait_gather(p)
            scatter_chunk(j, p)
            nslot = (p + 2) % _NBUF

            @pl.when(j + 2 <= _NCHUNK - 1)
            def _():
                wait_scatter(nslot)
                gather_chunk(j + 2, nslot)

        return carry

    lax.fori_loop(0, (_NCHUNK - 2) // _NBUF, body4, 0)

    for p in range(_NBUF):
        wait_scatter(p)
    pltpu.sync_copy(acc_ref.at[pl.ds(lbase, _ROWS)],
                    out_ref.at[pl.ds(gbase, _ROWS)])


@functools.partial(
    pl.kernel,
    out_type=jax.ShapeDtypeStruct((_B, _D), jnp.float32),
    mesh=plsc.VectorSubcoreMesh(core_axis_name="c", subcore_axis_name="s"),
    scratch_types=[
        pltpu.VMEM((_NCHUNK, _CL), jnp.int32),
        pltpu.VMEM((_NCHUNK, _CL), jnp.int32),
        [pltpu.VMEM((_CL, _D), jnp.float32) for _ in range(_NBUF)],
        pltpu.VMEM_SHARED((_ACC_ROWS, _D), jnp.float32),
        [pltpu.SemaphoreType.DMA for _ in range(_NBUF)],
        [pltpu.SemaphoreType.DMA for _ in range(_NBUF)],
    ],
)
def _pool(x_ref, dst_ref, tab_ref, out_ref, idx_v, dst_v, gbufs, acc_ref,
          gsems, ssems):
    _pool_body(x_ref, dst_ref, tab_ref, out_ref, idx_v, dst_v, gbufs,
               acc_ref, gsems, ssems)


def _fc_body(m_ref, w_ref, b_ref, o_ref):
    o_ref[...] = (
        jnp.dot(m_ref[...] * (1.0 / _L), w_ref[...],
                preferred_element_type=jnp.float32)
        + b_ref[...]
    )


def _fc(pooled, wt, b2):
    blk = 1024
    return pl.pallas_call(
        _fc_body,
        grid=(_B // blk,),
        in_specs=[
            pl.BlockSpec((blk, _D), lambda i: (i, 0)),
            pl.BlockSpec((_D, _C), lambda i: (0, 0)),
            pl.BlockSpec((1, _C), lambda i: (0, 0)),
        ],
        out_specs=pl.BlockSpec((blk, _C), lambda i: (i, 0)),
        out_shape=jax.ShapeDtypeStruct((_B, _C), jnp.float32),
    )(pooled, wt, b2)


@jax.jit
def kernel(x, emb_table, fc_w, fc_b):
    xf = x.reshape(_NW, _NCHUNK, _CL)
    dst = (
        (lax.iota(jnp.int32, _NS * _NCHUNK * _CL) // _L) % _ACC_ROWS
    ).reshape(_NS, _NCHUNK, _CL)
    pooled = _pool(xf, dst, emb_table)
    wt = fc_w.T
    b2 = fc_b.reshape(1, _C)
    return _fc(pooled, wt, b2)

# --- scband reference (transcript-rebuilt; emitter-appended) ---
"""Pipeline reference for scband-glove-mlp-67439576481850 (READ-ONLY COPY).

The authoritative reference and input builder live on the scoring server;
editing this copy changes nothing except your own understanding.
"""

import jax, jax.numpy as jnp
import numpy as np

VOCAB = 1000000
DIM = 128
NUM_CLASSES = 32
B = 4096
L = 50


def setup_inputs(seed: int = 0) -> dict:
    key = jax.random.key(seed)
    k1, k2, k3 = jax.random.split(key, 3)
    x = jax.random.randint(k1, (B, L), 0, VOCAB, dtype=jnp.int32)
    # frozen pretrained embedding table (glove)
    emb_table = jax.random.normal(k2, (VOCAB, DIM), dtype=jnp.float32)
    # fc: Linear(hidden_size, num_classes)
    fc_w = jax.random.normal(k3, (NUM_CLASSES, DIM), dtype=jnp.float32) * (1.0 / np.sqrt(DIM))
    fc_b = jnp.zeros((NUM_CLASSES,), dtype=jnp.float32)
    return {"x": x, "emb_table": emb_table, "fc_w": fc_w, "fc_b": fc_b}


def reference(x, emb_table, fc_w, fc_b):
    # x = self.embedding(x)
    e = jnp.take(emb_table, x, axis=0)          # [B, L, DIM]
    # x = torch.mean(x, dim=1)
    m = jnp.mean(e, axis=1)                      # [B, DIM]
    # x = self.fc(x)
    out = m @ fc_w.T + fc_b                      # [B, NUM_CLASSES]
    return out

if __name__ == "__main__":
    import jax
    _d = setup_inputs()
    print(jax.jit(kernel)(*tuple(_d.values())))

</pallas_src>

<mosaic_0001>
#map = affine_map<(d0, d1) -> (0, 0, 0)>
#map1 = affine_map<(d0, d1) -> (0, 0)>
module attributes {stable_mosaic.version = 14 : i64} {
  func.func @_pool(%arg0: i32, %arg1: i32, %arg2: memref<32x50x128xi32, #tpu.memory_space<hbm>>, %arg3: memref<16x50x128xi32, #tpu.memory_space<hbm>>, %arg4: memref<1000000x128xf32, #tpu.memory_space<hbm>>, %arg5: memref<4096x128xf32, #tpu.memory_space<hbm>>, %arg6: memref<50x128xi32, #tpu.memory_space<vmem>>, %arg7: memref<50x128xi32, #tpu.memory_space<vmem>>, %arg8: memref<128x128xf32, #tpu.memory_space<vmem>>, %arg9: memref<128x128xf32, #tpu.memory_space<vmem>>, %arg10: memref<128x128xf32, #tpu.memory_space<vmem>>, %arg11: memref<128x128xf32, #tpu.memory_space<vmem>>, %arg12: memref<2048x128xf32, #tpu.memory_space<vmem_shared>>, %arg13: memref<!tpu.dma_semaphore, #tpu.memory_space<semaphore_mem>>, %arg14: memref<!tpu.dma_semaphore, #tpu.memory_space<semaphore_mem>>, %arg15: memref<!tpu.dma_semaphore, #tpu.memory_space<semaphore_mem>>, %arg16: memref<!tpu.dma_semaphore, #tpu.memory_space<semaphore_mem>>, %arg17: memref<!tpu.dma_semaphore, #tpu.memory_space<semaphore_mem>>, %arg18: memref<!tpu.dma_semaphore, #tpu.memory_space<semaphore_mem>>, %arg19: memref<!tpu.dma_semaphore, #tpu.memory_space<semaphore_mem>>, %arg20: memref<!tpu.dma_semaphore, #tpu.memory_space<semaphore_mem>>) attributes {dimension_semantics = [#tpu.dimension_semantics<core_parallel>, #tpu.dimension_semantics<subcore_parallel>], iteration_bounds = array<i64: 2, 16>, scalar_prefetch = 0 : i64, scratch_operands = 15 : i64, tpu.core_type = #tpu.core_type<sc_vector_subcore>, window_params = [{transform_indices = #map}, {transform_indices = #map}, {transform_indices = #map1}, {transform_indices = #map1}]} {
    %mul3A = arith.constant 16 : i32
    %mul3A_0 = arith.muli %arg0, %mul3A : i32
    %add3A = arith.addi %mul3A_0, %arg1 : i32
    %mul3A_1 = arith.constant 128 : i32
    %mul3A_2 = arith.muli %add3A, %mul3A_1 : i32
    %mul3A_3 = arith.constant 128 : i32
    %mul3A_4 = arith.muli %arg1, %mul3A_3 : i32
    "tpu.region"() ({
      %run_scoped3A = tpu.sem_alloc : memref<!tpu.dma_semaphore, #tpu.memory_space<semaphore_mem>>
      %dma_start3A_95 = arith.constant 0 : i32
      %dma_start3A_96 = arith.constant 0 : i32
      %dma_start3A_97 = tpu.memref_slice %arg2[%add3A, %dma_start3A_95, %dma_start3A_96] : memref<32x50x128xi32, #tpu.memory_space<hbm>> -> memref<1x50x128xi32, #tpu.memory_space<hbm>>
      %dma_start3A_98 = tpu.memref_squeeze %dma_start3A_97 : memref<1x50x128xi32, #tpu.memory_space<hbm>> -> memref<50x128xi32, #tpu.memory_space<hbm>>
      %dma_start3A_99 = arith.constant 0 : i32
      %dma_start3A_100 = arith.constant 0 : i32
      %dma_start3A_101 = tpu.memref_slice %arg2[%add3A, %dma_start3A_99, %dma_start3A_100] : memref<32x50x128xi32, #tpu.memory_space<hbm>> -> memref<1x50x128xi32, #tpu.memory_space<hbm>>
      %dma_start3A_102 = tpu.memref_squeeze %dma_start3A_101 : memref<1x50x128xi32, #tpu.memory_space<hbm>> -> memref<50x128xi32, #tpu.memory_space<hbm>>
      tpu.enqueue_dma source(%dma_start3A_102 : memref<50x128xi32, #tpu.memory_space<hbm>>) target(%arg6 : memref<50x128xi32, #tpu.memory_space<vmem>>) target_semaphore(%run_scoped3A : memref<!tpu.dma_semaphore, #tpu.memory_space<semaphore_mem>>)
      %dma_wait3A_103 = arith.constant 0 : i32
      %dma_wait3A_104 = arith.constant 0 : i32
      %dma_wait3A_105 = tpu.memref_slice %arg2[%add3A, %dma_wait3A_103, %dma_wait3A_104] : memref<32x50x128xi32, #tpu.memory_space<hbm>> -> memref<1x50x128xi32, #tpu.memory_space<hbm>>
      %dma_wait3A_106 = tpu.memref_squeeze %dma_wait3A_105 : memref<1x50x128xi32, #tpu.memory_space<hbm>> -> memref<50x128xi32, #tpu.memory_space<hbm>>
      %dma_wait3A_107 = arith.constant 0 : i32
      %dma_wait3A_108 = arith.constant 0 : i32
      %dma_wait3A_109 = tpu.memref_slice %arg2[%add3A, %dma_wait3A_107, %dma_wait3A_108] : memref<32x50x128xi32, #tpu.memory_space<hbm>> -> memref<1x50x128xi32, #tpu.memory_space<hbm>>
      %dma_wait3A_110 = tpu.memref_squeeze %dma_wait3A_109 : memref<1x50x128xi32, #tpu.memory_space<hbm>> -> memref<50x128xi32, #tpu.memory_space<hbm>>
      tpu.wait_dma2 semaphore(%run_scoped3A : memref<!tpu.dma_semaphore, #tpu.memory_space<semaphore_mem>>) src(%dma_wait3A_110 : memref<50x128xi32, #tpu.memory_space<hbm>>) dst(%arg6 : memref<50x128xi32, #tpu.memory_space<vmem>>)
      tpu.yield
    }) : () -> ()
    "tpu.region"() ({
      %run_scoped3A = tpu.sem_alloc : memref<!tpu.dma_semaphore, #tpu.memory_space<semaphore_mem>>
      %dma_start3A_95 = arith.constant 0 : i32
      %dma_start3A_96 = arith.constant 0 : i32
      %dma_start3A_97 = tpu.memref_slice %arg3[%arg1, %dma_start3A_95, %dma_start3A_96] : memref<16x50x128xi32, #tpu.memory_space<hbm>> -> memref<1x50x128xi32, #tpu.memory_space<hbm>>
      %dma_start3A_98 = tpu.memref_squeeze %dma_start3A_97 : memref<1x50x128xi32, #tpu.memory_space<hbm>> -> memref<50x128xi32, #tpu.memory_space<hbm>>
      %dma_start3A_99 = arith.constant 0 : i32
      %dma_start3A_100 = arith.constant 0 : i32
      %dma_start3A_101 = tpu.memref_slice %arg3[%arg1, %dma_start3A_99, %dma_start3A_100] : memref<16x50x128xi32, #tpu.memory_space<hbm>> -> memref<1x50x128xi32, #tpu.memory_space<hbm>>
      %dma_start3A_102 = tpu.memref_squeeze %dma_start3A_101 : memref<1x50x128xi32, #tpu.memory_space<hbm>> -> memref<50x128xi32, #tpu.memory_space<hbm>>
      tpu.enqueue_dma source(%dma_start3A_102 : memref<50x128xi32, #tpu.memory_space<hbm>>) target(%arg7 : memref<50x128xi32, #tpu.memory_space<vmem>>) target_semaphore(%run_scoped3A : memref<!tpu.dma_semaphore, #tpu.memory_space<semaphore_mem>>)
      %dma_wait3A_103 = arith.constant 0 : i32
      %dma_wait3A_104 = arith.constant 0 : i32
      %dma_wait3A_105 = tpu.memref_slice %arg3[%arg1, %dma_wait3A_103, %dma_wait3A_104] : memref<16x50x128xi32, #tpu.memory_space<hbm>> -> memref<1x50x128xi32, #tpu.memory_space<hbm>>
      %dma_wait3A_106 = tpu.memref_squeeze %dma_wait3A_105 : memref<1x50x128xi32, #tpu.memory_space<hbm>> -> memref<50x128xi32, #tpu.memory_space<hbm>>
      %dma_wait3A_107 = arith.constant 0 : i32
      %dma_wait3A_108 = arith.constant 0 : i32
      %dma_wait3A_109 = tpu.memref_slice %arg3[%arg1, %dma_wait3A_107, %dma_wait3A_108] : memref<16x50x128xi32, #tpu.memory_space<hbm>> -> memref<1x50x128xi32, #tpu.memory_space<hbm>>
      %dma_wait3A_110 = tpu.memref_squeeze %dma_wait3A_109 : memref<1x50x128xi32, #tpu.memory_space<hbm>> -> memref<50x128xi32, #tpu.memory_space<hbm>>
      tpu.wait_dma2 semaphore(%run_scoped3A : memref<!tpu.dma_semaphore, #tpu.memory_space<semaphore_mem>>) src(%dma_wait3A_110 : memref<50x128xi32, #tpu.memory_space<hbm>>) dst(%arg7 : memref<50x128xi32, #tpu.memory_space<vmem>>)
      tpu.yield
    }) : () -> ()
    %broadcast_in_dim3A = arith.constant 0.000000e+00 : f32
    %broadcast_in_dim3A_5 = vector.broadcast %broadcast_in_dim3A : f32 to vector<16xf32>
    %scan3A = arith.constant 0 : i32
    %scan3A_6 = arith.constant 0 : i32
    %scan3A_7 = arith.constant 128 : i32
    %scan3A_8 = arith.addi %scan3A_6, %scan3A_7 : i32
    %scan3A_9 = arith.constant 1 : i32
    scf.for %scan3A_95 = %scan3A_6 to %scan3A_8 step %scan3A_9  : i32 {
      %swap3A = arith.index_cast %scan3A_95 : i32 to index
      %swap3A_96 = arith.constant 0 : index
      %swap3A_97 = tpu.vector_load %arg8[%swap3A, %swap3A_96] {strides = array<i32>} : memref<128x128xf32, #tpu.memory_space<vmem>>, vector<1x16xf32>,
      %swap3A_98 = vector.shape_cast %swap3A_97 : vector<1x16xf32> to vector<16xf32>
      %swap3A_99 = vector.shape_cast %broadcast_in_dim3A_5 : vector<16xf32> to vector<1x16xf32>
      tpu.vector_store %arg8[%swap3A, %swap3A_96], %swap3A_99 {strides = array<i32>} : memref<128x128xf32, #tpu.memory_space<vmem>>, vector<1x16xf32>,
      %swap3A_100 = arith.index_cast %scan3A_95 : i32 to index
      %swap3A_101 = arith.constant 16 : index
      %swap3A_102 = tpu.vector_load %arg8[%swap3A_100, %swap3A_101] {strides = array<i32>} : memref<128x128xf32, #tpu.memory_space<vmem>>, vector<1x16xf32>,
      %swap3A_103 = vector.shape_cast %swap3A_102 : vector<1x16xf32> to vector<16xf32>
      %swap3A_104 = vector.shape_cast %broadcast_in_dim3A_5 : vector<16xf32> to vector<1x16xf32>
      tpu.vector_store %arg8[%swap3A_100, %swap3A_101], %swap3A_104 {strides = array<i32>} : memref<128x128xf32, #tpu.memory_space<vmem>>, vector<1x16xf32>,
      %swap3A_105 = arith.index_cast %scan3A_95 : i32 to index
      %swap3A_106 = arith.constant 32 : index
      %swap3A_107 = tpu.vector_load %arg8[%swap3A_105, %swap3A_106] {strides = array<i32>} : memref<128x128xf32, #tpu.memory_space<vmem>>, vector<1x16xf32>,
      %swap3A_108 = vector.shape_cast %swap3A_107 : vector<1x16xf32> to vector<16xf32>
      %swap3A_109 = vector.shape_cast %broadcast_in_dim3A_5 : vector<16xf32> to vector<1x16xf32>
      tpu.vector_store %arg8[%swap3A_105, %swap3A_106], %swap3A_109 {strides = array<i32>} : memref<128x128xf32, #tpu.memory_space<vmem>>, vector<1x16xf32>,
      %swap3A_110 = arith.index_cast %scan3A_95 : i32 to index
      %swap3A_111 = arith.constant 48 : index
      %swap3A_112 = tpu.vector_load %arg8[%swap3A_110, %swap3A_111] {strides = array<i32>} : memref<128x128xf32, #tpu.memory_space<vmem>>, vector<1x16xf32>,
      %swap3A_113 = vector.shape_cast %swap3A_112 : vector<1x16xf32> to vector<16xf32>
      %swap3A_114 = vector.shape_cast %broadcast_in_dim3A_5 : vector<16xf32> to vector<1x16xf32>
      tpu.vector_store %arg8[%swap3A_110, %swap3A_111], %swap3A_114 {strides = array<i32>} : memref<128x128xf32, #tpu.memory_space<vmem>>, vector<1x16xf32>,
      %swap3A_115 = arith.index_cast %scan3A_95 : i32 to index
      %swap3A_116 = arith.constant 64 : index
      %swap3A_117 = tpu.vector_load %arg8[%swap3A_115, %swap3A_116] {strides = array<i32>} : memref<128x128xf32, #tpu.memory_space<vmem>>, vector<1x16xf32>,
      %swap3A_118 = vector.shape_cast %swap3A_117 : vector<1x16xf32> to vector<16xf32>
      %swap3A_119 = vector.shape_cast %broadcast_in_dim3A_5 : vector<16xf32> to vector<1x16xf32>
      tpu.vector_store %arg8[%swap3A_115, %swap3A_116], %swap3A_119 {strides = array<i32>} : memref<128x128xf32, #tpu.memory_space<vmem>>, vector<1x16xf32>,
      %swap3A_120 = arith.index_cast %scan3A_95 : i32 to index
      %swap3A_121 = arith.constant 80 : index
      %swap3A_122 = tpu.vector_load %arg8[%swap3A_120, %swap3A_121] {strides = array<i32>} : memref<128x128xf32, #tpu.memory_space<vmem>>, vector<1x16xf32>,
      %swap3A_123 = vector.shape_cast %swap3A_122 : vector<1x16xf32> to vector<16xf32>
      %swap3A_124 = vector.shape_cast %broadcast_in_dim3A_5 : vector<16xf32> to vector<1x16xf32>
      tpu.vector_store %arg8[%swap3A_120, %swap3A_121], %swap3A_124 {strides = array<i32>} : memref<128x128xf32, #tpu.memory_space<vmem>>, vector<1x16xf32>,
      %swap3A_125 = arith.index_cast %scan3A_95 : i32 to index
      %swap3A_126 = arith.constant 96 : index
      %swap3A_127 = tpu.vector_load %arg8[%swap3A_125, %swap3A_126] {strides = array<i32>} : memref<128x128xf32, #tpu.memory_space<vmem>>, vector<1x16xf32>,
      %swap3A_128 = vector.shape_cast %swap3A_127 : vector<1x16xf32> to vector<16xf32>
      %swap3A_129 = vector.shape_cast %broadcast_in_dim3A_5 : vector<16xf32> to vector<1x16xf32>
      tpu.vector_store %arg8[%swap3A_125, %swap3A_126], %swap3A_129 {strides = array<i32>} : memref<128x128xf32, #tpu.memory_space<vmem>>, vector<1x16xf32>,
      %swap3A_130 = arith.index_cast %scan3A_95 : i32 to index
      %swap3A_131 = arith.constant 112 : index
      %swap3A_132 = tpu.vector_load %arg8[%swap3A_130, %swap3A_131] {strides = array<i32>} : memref<128x128xf32, #tpu.memory_space<vmem>>, vector<1x16xf32>,
      %swap3A_133 = vector.shape_cast %swap3A_132 : vector<1x16xf32> to vector<16xf32>
      %swap3A_134 = vector.shape_cast %broadcast_in_dim3A_5 : vector<16xf32> to vector<1x16xf32>
      tpu.vector_store %arg8[%swap3A_130, %swap3A_131], %swap3A_134 {strides = array<i32>} : memref<128x128xf32, #tpu.memory_space<vmem>>, vector<1x16xf32>,
    }
    %scan3A_10 = arith.constant 128 : i32
    "tpu.region"() ({
      %run_scoped3A = tpu.sem_alloc : memref<!tpu.dma_semaphore, #tpu.memory_space<semaphore_mem>>
      %dma_start3A_95 = arith.constant 0 : i32
      %dma_start3A_96 = tpu.memref_slice %arg12[%mul3A_4, %dma_start3A_95] : memref<2048x128xf32, #tpu.memory_space<vmem_shared>> -> memref<128x128xf32, #tpu.memory_space<vmem_shared>>
      %dma_start3A_97 = arith.constant 0 : i32
      %dma_start3A_98 = tpu.memref_slice %arg12[%mul3A_4, %dma_start3A_97] : memref<2048x128xf32, #tpu.memory_space<vmem_shared>> -> memref<128x128xf32, #tpu.memory_space<vmem_shared>>
      tpu.enqueue_dma source(%arg8 : memref<128x128xf32, #tpu.memory_space<vmem>>) target(%dma_start3A_98 : memref<128x128xf32, #tpu.memory_space<vmem_shared>>) target_semaphore(%run_scoped3A : memref<!tpu.dma_semaphore, #tpu.memory_space<semaphore_mem>>)
      %dma_wait3A_99 = arith.constant 0 : i32
      %dma_wait3A_100 = tpu.memref_slice %arg12[%mul3A_4, %dma_wait3A_99] : memref<2048x128xf32, #tpu.memory_space<vmem_shared>> -> memref<128x128xf32, #tpu.memory_space<vmem_shared>>
      %dma_wait3A_101 = arith.constant 0 : i32
      %dma_wait3A_102 = tpu.memref_slice %arg12[%mul3A_4, %dma_wait3A_101] : memref<2048x128xf32, #tpu.memory_space<vmem_shared>> -> memref<128x128xf32, #tpu.memory_space<vmem_shared>>
      tpu.wait_dma2 semaphore(%run_scoped3A : memref<!tpu.dma_semaphore, #tpu.memory_space<semaphore_mem>>) src(%arg8 : memref<128x128xf32, #tpu.memory_space<vmem>>) dst(%dma_wait3A_102 : memref<128x128xf32, #tpu.memory_space<vmem_shared>>)
      tpu.yield
    }) : () -> ()
    %dma_start3A = arith.constant 0 : i32
    %dma_start3A_11 = arith.constant 0 : i32
    %dma_start3A_12 = tpu.memref_slice %arg6[%dma_start3A, %dma_start3A_11] : memref<50x128xi32, #tpu.memory_space<vmem>> -> memref<1x128xi32, #tpu.memory_space<vmem>>
    %dma_start3A_13 = tpu.memref_squeeze %dma_start3A_12 : memref<1x128xi32, #tpu.memory_space<vmem>> -> memref<128xi32, #tpu.memory_space<vmem>>
    %dma_start3A_14 = arith.constant 0 : i32
    %dma_start3A_15 = arith.constant 0 : i32
    %dma_start3A_16 = tpu.memref_slice %arg4[%dma_start3A_14, %dma_start3A_15] : memref<1000000x128xf32, #tpu.memory_space<hbm>> -> memref<1000000x128xf32, #tpu.memory_space<hbm>>
    tpu.enqueue_indirect_dma source(%dma_start3A_16 : memref<1000000x128xf32, #tpu.memory_space<hbm>>) target(%arg8 : memref<128x128xf32, #tpu.memory_space<vmem>>) offsets(%dma_start3A_13 : memref<128xi32, #tpu.memory_space<vmem>>) semaphore(%arg13 : memref<!tpu.dma_semaphore, #tpu.memory_space<semaphore_mem>>)
    %dma_start3A_17 = arith.constant 1 : i32
    %dma_start3A_18 = arith.constant 0 : i32
    %dma_start3A_19 = tpu.memref_slice %arg6[%dma_start3A_17, %dma_start3A_18] : memref<50x128xi32, #tpu.memory_space<vmem>> -> memref<1x128xi32, #tpu.memory_space<vmem>>
    %dma_start3A_20 = tpu.memref_squeeze %dma_start3A_19 : memref<1x128xi32, #tpu.memory_space<vmem>> -> memref<128xi32, #tpu.memory_space<vmem>>
    %dma_start3A_21 = arith.constant 0 : i32
    %dma_start3A_22 = arith.constant 0 : i32
    %dma_start3A_23 = tpu.memref_slice %arg4[%dma_start3A_21, %dma_start3A_22] : memref<1000000x128xf32, #tpu.memory_space<hbm>> -> memref<1000000x128xf32, #tpu.memory_space<hbm>>
    tpu.enqueue_indirect_dma source(%dma_start3A_23 : memref<1000000x128xf32, #tpu.memory_space<hbm>>) target(%arg9 : memref<128x128xf32, #tpu.memory_space<vmem>>) offsets(%dma_start3A_20 : memref<128xi32, #tpu.memory_space<vmem>>) semaphore(%arg14 : memref<!tpu.dma_semaphore, #tpu.memory_space<semaphore_mem>>)
    %dma_wait3A = arith.constant 0 : i32
    %dma_wait3A_24 = arith.constant 0 : i32
    %dma_wait3A_25 = tpu.memref_slice %arg6[%dma_wait3A, %dma_wait3A_24] : memref<50x128xi32, #tpu.memory_space<vmem>> -> memref<1x128xi32, #tpu.memory_space<vmem>>
    %dma_wait3A_26 = tpu.memref_squeeze %dma_wait3A_25 : memref<1x128xi32, #tpu.memory_space<vmem>> -> memref<128xi32, #tpu.memory_space<vmem>>
    %dma_wait3A_27 = arith.constant 0 : i32
    %dma_wait3A_28 = arith.constant 0 : i32
    %dma_wait3A_29 = tpu.memref_slice %arg4[%dma_wait3A_27, %dma_wait3A_28] : memref<1000000x128xf32, #tpu.memory_space<hbm>> -> memref<1000000x128xf32, #tpu.memory_space<hbm>>
    tpu.wait_indirect_dma semaphore(%arg13 : memref<!tpu.dma_semaphore, #tpu.memory_space<semaphore_mem>>) src(%dma_wait3A_29 : memref<1000000x128xf32, #tpu.memory_space<hbm>>) dst(%arg8 : memref<128x128xf32, #tpu.memory_space<vmem>>)
    %dma_start3A_30 = arith.constant 0 : i32
    %dma_start3A_31 = arith.constant 0 : i32
    %dma_start3A_32 = tpu.memref_slice %arg7[%dma_start3A_30, %dma_start3A_31] : memref<50x128xi32, #tpu.memory_space<vmem>> -> memref<1x128xi32, #tpu.memory_space<vmem>>
    %dma_start3A_33 = tpu.memref_squeeze %dma_start3A_32 : memref<1x128xi32, #tpu.memory_space<vmem>> -> memref<128xi32, #tpu.memory_space<vmem>>
    %dma_start3A_34 = arith.constant 0 : i32
    %dma_start3A_35 = arith.constant 0 : i32
    %dma_start3A_36 = tpu.memref_slice %arg12[%dma_start3A_34, %dma_start3A_35] : memref<2048x128xf32, #tpu.memory_space<vmem_shared>> -> memref<2048x128xf32, #tpu.memory_space<vmem_shared>>
    tpu.enqueue_indirect_dma source(%arg8 : memref<128x128xf32, #tpu.memory_space<vmem>>) target(%dma_start3A_36 : memref<2048x128xf32, #tpu.memory_space<vmem_shared>>) offsets(%dma_start3A_33 : memref<128xi32, #tpu.memory_space<vmem>>) semaphore(%arg17 : memref<!tpu.dma_semaphore, #tpu.memory_space<semaphore_mem>>) {add = true}
    %dma_start3A_37 = arith.constant 2 : i32
    %dma_start3A_38 = arith.constant 0 : i32
    %dma_start3A_39 = tpu.memref_slice %arg6[%dma_start3A_37, %dma_start3A_38] : memref<50x128xi32, #tpu.memory_space<vmem>> -> memref<1x128xi32, #tpu.memory_space<vmem>>
    %dma_start3A_40 = tpu.memref_squeeze %dma_start3A_39 : memref<1x128xi32, #tpu.memory_space<vmem>> -> memref<128xi32, #tpu.memory_space<vmem>>
    %dma_start3A_41 = arith.constant 0 : i32
    %dma_start3A_42 = arith.constant 0 : i32
    %dma_start3A_43 = tpu.memref_slice %arg4[%dma_start3A_41, %dma_start3A_42] : memref<1000000x128xf32, #tpu.memory_space<hbm>> -> memref<1000000x128xf32, #tpu.memory_space<hbm>>
    tpu.enqueue_indirect_dma source(%dma_start3A_43 : memref<1000000x128xf32, #tpu.memory_space<hbm>>) target(%arg10 : memref<128x128xf32, #tpu.memory_space<vmem>>) offsets(%dma_start3A_40 : memref<128xi32, #tpu.memory_space<vmem>>) semaphore(%arg15 : memref<!tpu.dma_semaphore, #tpu.memory_space<semaphore_mem>>)
    %dma_wait3A_44 = arith.constant 0 : i32
    %dma_wait3A_45 = arith.constant 0 : i32
    %dma_wait3A_46 = tpu.memref_slice %arg6[%dma_wait3A_44, %dma_wait3A_45] : memref<50x128xi32, #tpu.memory_space<vmem>> -> memref<1x128xi32, #tpu.memory_space<vmem>>
    %dma_wait3A_47 = tpu.memref_squeeze %dma_wait3A_46 : memref<1x128xi32, #tpu.memory_space<vmem>> -> memref<128xi32, #tpu.memory_space<vmem>>
    %dma_wait3A_48 = arith.constant 0 : i32
    %dma_wait3A_49 = arith.constant 0 : i32
    %dma_wait3A_50 = tpu.memref_slice %arg4[%dma_wait3A_48, %dma_wait3A_49] : memref<1000000x128xf32, #tpu.memory_space<hbm>> -> memref<1000000x128xf32, #tpu.memory_space<hbm>>
    tpu.wait_indirect_dma semaphore(%arg14 : memref<!tpu.dma_semaphore, #tpu.memory_space<semaphore_mem>>) src(%dma_wait3A_50 : memref<1000000x128xf32, #tpu.memory_space<hbm>>) dst(%arg9 : memref<128x128xf32, #tpu.memory_space<vmem>>)
    %dma_start3A_51 = arith.constant 1 : i32
    %dma_start3A_52 = arith.constant 0 : i32
    %dma_start3A_53 = tpu.memref_slice %arg7[%dma_start3A_51, %dma_start3A_52] : memref<50x128xi32, #tpu.memory_space<vmem>> -> memref<1x128xi32, #tpu.memory_space<vmem>>
    %dma_start3A_54 = tpu.memref_squeeze %dma_start3A_53 : memref<1x128xi32, #tpu.memory_space<vmem>> -> memref<128xi32, #tpu.memory_space<vmem>>
    %dma_start3A_55 = arith.constant 0 : i32
    %dma_start3A_56 = arith.constant 0 : i32
    %dma_start3A_57 = tpu.memref_slice %arg12[%dma_start3A_55, %dma_start3A_56] : memref<2048x128xf32, #tpu.memory_space<vmem_shared>> -> memref<2048x128xf32, #tpu.memory_space<vmem_shared>>
    tpu.enqueue_indirect_dma source(%arg9 : memref<128x128xf32, #tpu.memory_space<vmem>>) target(%dma_start3A_57 : memref<2048x128xf32, #tpu.memory_space<vmem_shared>>) offsets(%dma_start3A_54 : memref<128xi32, #tpu.memory_space<vmem>>) semaphore(%arg18 : memref<!tpu.dma_semaphore, #tpu.memory_space<semaphore_mem>>) {add = true}
    %dma_start3A_58 = arith.constant 3 : i32
    %dma_start3A_59 = arith.constant 0 : i32
    %dma_start3A_60 = tpu.memref_slice %arg6[%dma_start3A_58, %dma_start3A_59] : memref<50x128xi32, #tpu.memory_space<vmem>> -> memref<1x128xi32, #tpu.memory_space<vmem>>
    %dma_start3A_61 = tpu.memref_squeeze %dma_start3A_60 : memref<1x128xi32, #tpu.memory_space<vmem>> -> memref<128xi32, #tpu.memory_space<vmem>>
    %dma_start3A_62 = arith.constant 0 : i32
    %dma_start3A_63 = arith.constant 0 : i32
    %dma_start3A_64 = tpu.memref_slice %arg4[%dma_start3A_62, %dma_start3A_63] : memref<1000000x128xf32, #tpu.memory_space<hbm>> -> memref<1000000x128xf32, #tpu.memory_space<hbm>>
    tpu.enqueue_indirect_dma source(%dma_start3A_64 : memref<1000000x128xf32, #tpu.memory_space<hbm>>) target(%arg11 : memref<128x128xf32, #tpu.memory_space<vmem>>) offsets(%dma_start3A_61 : memref<128xi32, #tpu.memory_space<vmem>>) semaphore(%arg16 : memref<!tpu.dma_semaphore, #tpu.memory_space<semaphore_mem>>)
    %scan3A_65 = arith.constant 0 : i32
    %scan3A_66 = arith.constant 0 : i32
    %scan3A_67 = arith.constant 12 : i32
    %scan3A_68 = arith.addi %scan3A_66, %scan3A_67 : i32
    %scan3A_69 = arith.constant 1 : i32
    scf.for %scan3A_95 = %scan3A_66 to %scan3A_68 step %scan3A_69  : i32 {
      %mul3A_96 = arith.constant 4 : i32
      %mul3A_97 = arith.muli %mul3A_96, %scan3A_95 : i32
      %add3A_98 = arith.constant 2 : i32
      %add3A_99 = arith.addi %add3A_98, %mul3A_97 : i32
      %add3A_100 = arith.constant 0 : i32
      %add3A_101 = arith.addi %add3A_99, %add3A_100 : i32
      %dma_wait3A_102 = arith.constant 0 : i32
      %dma_wait3A_103 = arith.constant 0 : i32
      %dma_wait3A_104 = tpu.memref_slice %arg6[%dma_wait3A_102, %dma_wait3A_103] : memref<50x128xi32, #tpu.memory_space<vmem>> -> memref<1x128xi32, #tpu.memory_space<vmem>>
      %dma_wait3A_105 = tpu.memref_squeeze %dma_wait3A_104 : memref<1x128xi32, #tpu.memory_space<vmem>> -> memref<128xi32, #tpu.memory_space<vmem>>
      %dma_wait3A_106 = arith.constant 0 : i32
      %dma_wait3A_107 = arith.constant 0 : i32
      %dma_wait3A_108 = tpu.memref_slice %arg4[%dma_wait3A_106, %dma_wait3A_107] : memref<1000000x128xf32, #tpu.memory_space<hbm>> -> memref<1000000x128xf32, #tpu.memory_space<hbm>>
      tpu.wait_indirect_dma semaphore(%arg15 : memref<!tpu.dma_semaphore, #tpu.memory_space<semaphore_mem>>) src(%dma_wait3A_108 : memref<1000000x128xf32, #tpu.memory_space<hbm>>) dst(%arg10 : memref<128x128xf32, #tpu.memory_space<vmem>>)
      %dma_start3A_109 = arith.constant 0 : i32
      %dma_start3A_110 = tpu.memref_slice %arg7[%add3A_101, %dma_start3A_109] : memref<50x128xi32, #tpu.memory_space<vmem>> -> memref<1x128xi32, #tpu.memory_space<vmem>>
      %dma_start3A_111 = tpu.memref_squeeze %dma_start3A_110 : memref<1x128xi32, #tpu.memory_space<vmem>> -> memref<128xi32, #tpu.memory_space<vmem>>
      %dma_start3A_112 = arith.constant 0 : i32
      %dma_start3A_113 = arith.constant 0 : i32
      %dma_start3A_114 = tpu.memref_slice %arg12[%dma_start3A_112, %dma_start3A_113] : memref<2048x128xf32, #tpu.memory_space<vmem_shared>> -> memref<2048x128xf32, #tpu.memory_space<vmem_shared>>
      tpu.enqueue_indirect_dma source(%arg10 : memref<128x128xf32, #tpu.memory_space<vmem>>) target(%dma_start3A_114 : memref<2048x128xf32, #tpu.memory_space<vmem_shared>>) offsets(%dma_start3A_111 : memref<128xi32, #tpu.memory_space<vmem>>) semaphore(%arg19 : memref<!tpu.dma_semaphore, #tpu.memory_space<semaphore_mem>>) {add = true}
      %add3A_115 = arith.constant 2 : i32
      %add3A_116 = arith.addi %add3A_101, %add3A_115 : i32
      %le3A = arith.constant 49 : i32
      %le3A_117 = arith.cmpi sle, %add3A_116, %le3A : i32
      %convert_element_type3A = arith.extui %le3A_117 : i1 to i32
      %cond3A = arith.constant 0 : i32
      %cond3A_118 = arith.cmpi ne, %convert_element_type3A, %cond3A : i32
      scf.if %cond3A_118 {
        %dma_wait3A_185 = arith.constant 0 : i32
        %dma_wait3A_186 = arith.constant 0 : i32
        %dma_wait3A_187 = tpu.memref_slice %arg12[%dma_wait3A_185, %dma_wait3A_186] : memref<2048x128xf32, #tpu.memory_space<vmem_shared>> -> memref<128x128xf32, #tpu.memory_space<vmem_shared>>
        %dma_wait3A_188 = arith.constant 0 : i32
        %dma_wait3A_189 = arith.constant 0 : i32
        %dma_wait3A_190 = tpu.memref_slice %arg12[%dma_wait3A_188, %dma_wait3A_189] : memref<2048x128xf32, #tpu.memory_space<vmem_shared>> -> memref<128x128xf32, #tpu.memory_space<vmem_shared>>
        tpu.wait_dma2 semaphore(%arg17 : memref<!tpu.dma_semaphore, #tpu.memory_space<semaphore_mem>>) src(%arg8 : memref<128x128xf32, #tpu.memory_space<vmem>>) dst(%dma_wait3A_190 : memref<128x128xf32, #tpu.memory_space<vmem_shared>>)
        %add3A_191 = arith.constant 2 : i32
        %add3A_192 = arith.addi %add3A_101, %add3A_191 : i32
        %dma_start3A_193 = arith.constant 0 : i32
        %dma_start3A_194 = tpu.memref_slice %arg6[%add3A_192, %dma_start3A_193] : memref<50x128xi32, #tpu.memory_space<vmem>> -> memref<1x128xi32, #tpu.memory_space<vmem>>
        %dma_start3A_195 = tpu.memref_squeeze %dma_start3A_194 : memref<1x128xi32, #tpu.memory_space<vmem>> -> memref<128xi32, #tpu.memory_space<vmem>>
        %dma_start3A_196 = arith.constant 0 : i32
        %dma_start3A_197 = arith.constant 0 : i32
        %dma_start3A_198 = tpu.memref_slice %arg4[%dma_start3A_196, %dma_start3A_197] : memref<1000000x128xf32, #tpu.memory_space<hbm>> -> memref<1000000x128xf32, #tpu.memory_space<hbm>>
        tpu.enqueue_indirect_dma source(%dma_start3A_198 : memref<1000000x128xf32, #tpu.memory_space<hbm>>) target(%arg8 : memref<128x128xf32, #tpu.memory_space<vmem>>) offsets(%dma_start3A_195 : memref<128xi32, #tpu.memory_space<vmem>>) semaphore(%arg13 : memref<!tpu.dma_semaphore, #tpu.memory_space<semaphore_mem>>)
      } else {
      }
      %add3A_119 = arith.constant 1 : i32
      %add3A_120 = arith.addi %add3A_99, %add3A_119 : i32
      %dma_wait3A_121 = arith.constant 0 : i32
      %dma_wait3A_122 = arith.constant 0 : i32
      %dma_wait3A_123 = tpu.memref_slice %arg6[%dma_wait3A_121, %dma_wait3A_122] : memref<50x128xi32, #tpu.memory_space<vmem>> -> memref<1x128xi32, #tpu.memory_space<vmem>>
      %dma_wait3A_124 = tpu.memref_squeeze %dma_wait3A_123 : memref<1x128xi32, #tpu.memory_space<vmem>> -> memref<128xi32, #tpu.memory_space<vmem>>
      %dma_wait3A_125 = arith.constant 0 : i32
      %dma_wait3A_126 = arith.constant 0 : i32
      %dma_wait3A_127 = tpu.memref_slice %arg4[%dma_wait3A_125, %dma_wait3A_126] : memref<1000000x128xf32, #tpu.memory_space<hbm>> -> memref<1000000x128xf32, #tpu.memory_space<hbm>>
      tpu.wait_indirect_dma semaphore(%arg16 : memref<!tpu.dma_semaphore, #tpu.memory_space<semaphore_mem>>) src(%dma_wait3A_127 : memref<1000000x128xf32, #tpu.memory_space<hbm>>) dst(%arg11 : memref<128x128xf32, #tpu.memory_space<vmem>>)
      %dma_start3A_128 = arith.constant 0 : i32
      %dma_start3A_129 = tpu.memref_slice %arg7[%add3A_120, %dma_start3A_128] : memref<50x128xi32, #tpu.memory_space<vmem>> -> memref<1x128xi32, #tpu.memory_space<vmem>>
      %dma_start3A_130 = tpu.memref_squeeze %dma_start3A_129 : memref<1x128xi32, #tpu.memory_space<vmem>> -> memref<128xi32, #tpu.memory_space<vmem>>
      %dma_start3A_131 = arith.constant 0 : i32
      %dma_start3A_132 = arith.constant 0 : i32
      %dma_start3A_133 = tpu.memref_slice %arg12[%dma_start3A_131, %dma_start3A_132] : memref<2048x128xf32, #tpu.memory_space<vmem_shared>> -> memref<2048x128xf32, #tpu.memory_space<vmem_shared>>
      tpu.enqueue_indirect_dma source(%arg11 : memref<128x128xf32, #tpu.memory_space<vmem>>) target(%dma_start3A_133 : memref<2048x128xf32, #tpu.memory_space<vmem_shared>>) offsets(%dma_start3A_130 : memref<128xi32, #tpu.memory_space<vmem>>) semaphore(%arg20 : memref<!tpu.dma_semaphore, #tpu.memory_space<semaphore_mem>>) {add = true}
      %add3A_134 = arith.constant 2 : i32
      %add3A_135 = arith.addi %add3A_120, %add3A_134 : i32
      %le3A_136 = arith.constant 49 : i32
      %le3A_137 = arith.cmpi sle, %add3A_135, %le3A_136 : i32
      %convert_element_type3A_138 = arith.extui %le3A_137 : i1 to i32
      %cond3A_139 = arith.constant 0 : i32
      %cond3A_140 = arith.cmpi ne, %convert_element_type3A_138, %cond3A_139 : i32
      scf.if %cond3A_140 {
        %dma_wait3A_185 = arith.constant 0 : i32
        %dma_wait3A_186 = arith.constant 0 : i32
        %dma_wait3A_187 = tpu.memref_slice %arg12[%dma_wait3A_185, %dma_wait3A_186] : memref<2048x128xf32, #tpu.memory_space<vmem_shared>> -> memref<128x128xf32, #tpu.memory_space<vmem_shared>>
        %dma_wait3A_188 = arith.constant 0 : i32
        %dma_wait3A_189 = arith.constant 0 : i32
        %dma_wait3A_190 = tpu.memref_slice %arg12[%dma_wait3A_188, %dma_wait3A_189] : memref<2048x128xf32, #tpu.memory_space<vmem_shared>> -> memref<128x128xf32, #tpu.memory_space<vmem_shared>>
        tpu.wait_dma2 semaphore(%arg18 : memref<!tpu.dma_semaphore, #tpu.memory_space<semaphore_mem>>) src(%arg9 : memref<128x128xf32, #tpu.memory_space<vmem>>) dst(%dma_wait3A_190 : memref<128x128xf32, #tpu.memory_space<vmem_shared>>)
        %add3A_191 = arith.constant 2 : i32
        %add3A_192 = arith.addi %add3A_120, %add3A_191 : i32
        %dma_start3A_193 = arith.constant 0 : i32
        %dma_start3A_194 = tpu.memref_slice %arg6[%add3A_192, %dma_start3A_193] : memref<50x128xi32, #tpu.memory_space<vmem>> -> memref<1x128xi32, #tpu.memory_space<vmem>>
        %dma_start3A_195 = tpu.memref_squeeze %dma_start3A_194 : memref<1x128xi32, #tpu.memory_space<vmem>> -> memref<128xi32, #tpu.memory_space<vmem>>
        %dma_start3A_196 = arith.constant 0 : i32
        %dma_start3A_197 = arith.constant 0 : i32
        %dma_start3A_198 = tpu.memref_slice %arg4[%dma_start3A_196, %dma_start3A_197] : memref<1000000x128xf32, #tpu.memory_space<hbm>> -> memref<1000000x128xf32, #tpu.memory_space<hbm>>
        tpu.enqueue_indirect_dma source(%dma_start3A_198 : memref<1000000x128xf32, #tpu.memory_space<hbm>>) target(%arg9 : memref<128x128xf32, #tpu.memory_space<vmem>>) offsets(%dma_start3A_195 : memref<128xi32, #tpu.memory_space<vmem>>) semaphore(%arg14 : memref<!tpu.dma_semaphore, #tpu.memory_space<semaphore_mem>>)
      } else {
      }
      %add3A_141 = arith.constant 2 : i32
      %add3A_142 = arith.addi %add3A_99, %add3A_141 : i32
      %dma_wait3A_143 = arith.constant 0 : i32
      %dma_wait3A_144 = arith.constant 0 : i32
      %dma_wait3A_145 = tpu.memref_slice %arg6[%dma_wait3A_143, %dma_wait3A_144] : memref<50x128xi32, #tpu.memory_space<vmem>> -> memref<1x128xi32, #tpu.memory_space<vmem>>
      %dma_wait3A_146 = tpu.memref_squeeze %dma_wait3A_145 : memref<1x128xi32, #tpu.memory_space<vmem>> -> memref<128xi32, #tpu.memory_space<vmem>>
      %dma_wait3A_147 = arith.constant 0 : i32
      %dma_wait3A_148 = arith.constant 0 : i32
      %dma_wait3A_149 = tpu.memref_slice %arg4[%dma_wait3A_147, %dma_wait3A_148] : memref<1000000x128xf32, #tpu.memory_space<hbm>> -> memref<1000000x128xf32, #tpu.memory_space<hbm>>
      tpu.wait_indirect_dma semaphore(%arg13 : memref<!tpu.dma_semaphore, #tpu.memory_space<semaphore_mem>>) src(%dma_wait3A_149 : memref<1000000x128xf32, #tpu.memory_space<hbm>>) dst(%arg8 : memref<128x128xf32, #tpu.memory_space<vmem>>)
      %dma_start3A_150 = arith.constant 0 : i32
      %dma_start3A_151 = tpu.memref_slice %arg7[%add3A_142, %dma_start3A_150] : memref<50x128xi32, #tpu.memory_space<vmem>> -> memref<1x128xi32, #tpu.memory_space<vmem>>
      %dma_start3A_152 = tpu.memref_squeeze %dma_start3A_151 : memref<1x128xi32, #tpu.memory_space<vmem>> -> memref<128xi32, #tpu.memory_space<vmem>>
      %dma_start3A_153 = arith.constant 0 : i32
      %dma_start3A_154 = arith.constant 0 : i32
      %dma_start3A_155 = tpu.memref_slice %arg12[%dma_start3A_153, %dma_start3A_154] : memref<2048x128xf32, #tpu.memory_space<vmem_shared>> -> memref<2048x128xf32, #tpu.memory_space<vmem_shared>>
      tpu.enqueue_indirect_dma source(%arg8 : memref<128x128xf32, #tpu.memory_space<vmem>>) target(%dma_start3A_155 : memref<2048x128xf32, #tpu.memory_space<vmem_shared>>) offsets(%dma_start3A_152 : memref<128xi32, #tpu.memory_space<vmem>>) semaphore(%arg17 : memref<!tpu.dma_semaphore, #tpu.memory_space<semaphore_mem>>) {add = true}
      %add3A_156 = arith.constant 2 : i32
      %add3A_157 = arith.addi %add3A_142, %add3A_156 : i32
      %le3A_158 = arith.constant 49 : i32
      %le3A_159 = arith.cmpi sle, %add3A_157, %le3A_158 : i32
      %convert_element_type3A_160 = arith.extui %le3A_159 : i1 to i32
      %cond3A_161 = arith.constant 0 : i32
      %cond3A_162 = arith.cmpi ne, %convert_element_type3A_160, %cond3A_161 : i32
      scf.if %cond3A_162 {
        %dma_wait3A_185 = arith.constant 0 : i32
        %dma_wait3A_186 = arith.constant 0 : i32
        %dma_wait3A_187 = tpu.memref_slice %arg12[%dma_wait3A_185, %dma_wait3A_186] : memref<2048x128xf32, #tpu.memory_space<vmem_shared>> -> memref<128x128xf32, #tpu.memory_space<vmem_shared>>
        %dma_wait3A_188 = arith.constant 0 : i32
        %dma_wait3A_189 = arith.constant 0 : i32
        %dma_wait3A_190 = tpu.memref_slice %arg12[%dma_wait3A_188, %dma_wait3A_189] : memref<2048x128xf32, #tpu.memory_space<vmem_shared>> -> memref<128x128xf32, #tpu.memory_space<vmem_shared>>
        tpu.wait_dma2 semaphore(%arg19 : memref<!tpu.dma_semaphore, #tpu.memory_space<semaphore_mem>>) src(%arg10 : memref<128x128xf32, #tpu.memory_space<vmem>>) dst(%dma_wait3A_190 : memref<128x128xf32, #tpu.memory_space<vmem_shared>>)
        %add3A_191 = arith.constant 2 : i32
        %add3A_192 = arith.addi %add3A_142, %add3A_191 : i32
        %dma_start3A_193 = arith.constant 0 : i32
        %dma_start3A_194 = tpu.memref_slice %arg6[%add3A_192, %dma_start3A_193] : memref<50x128xi32, #tpu.memory_space<vmem>> -> memref<1x128xi32, #tpu.memory_space<vmem>>
        %dma_start3A_195 = tpu.memref_squeeze %dma_start3A_194 : memref<1x128xi32, #tpu.memory_space<vmem>> -> memref<128xi32, #tpu.memory_space<vmem>>
        %dma_start3A_196 = arith.constant 0 : i32
        %dma_start3A_197 = arith.constant 0 : i32
        %dma_start3A_198 = tpu.memref_slice %arg4[%dma_start3A_196, %dma_start3A_197] : memref<1000000x128xf32, #tpu.memory_space<hbm>> -> memref<1000000x128xf32, #tpu.memory_space<hbm>>
        tpu.enqueue_indirect_dma source(%dma_start3A_198 : memref<1000000x128xf32, #tpu.memory_space<hbm>>) target(%arg10 : memref<128x128xf32, #tpu.memory_space<vmem>>) offsets(%dma_start3A_195 : memref<128xi32, #tpu.memory_space<vmem>>) semaphore(%arg15 : memref<!tpu.dma_semaphore, #tpu.memory_space<semaphore_mem>>)
      } else {
      }
      %add3A_163 = arith.constant 3 : i32
      %add3A_164 = arith.addi %add3A_99, %add3A_163 : i32
      %dma_wait3A_165 = arith.constant 0 : i32
      %dma_wait3A_166 = arith.constant 0 : i32
      %dma_wait3A_167 = tpu.memref_slice %arg6[%dma_wait3A_165, %dma_wait3A_166] : memref<50x128xi32, #tpu.memory_space<vmem>> -> memref<1x128xi32, #tpu.memory_space<vmem>>
      %dma_wait3A_168 = tpu.memref_squeeze %dma_wait3A_167 : memref<1x128xi32, #tpu.memory_space<vmem>> -> memref<128xi32, #tpu.memory_space<vmem>>
      %dma_wait3A_169 = arith.constant 0 : i32
      %dma_wait3A_170 = arith.constant 0 : i32
      %dma_wait3A_171 = tpu.memref_slice %arg4[%dma_wait3A_169, %dma_wait3A_170] : memref<1000000x128xf32, #tpu.memory_space<hbm>> -> memref<1000000x128xf32, #tpu.memory_space<hbm>>
      tpu.wait_indirect_dma semaphore(%arg14 : memref<!tpu.dma_semaphore, #tpu.memory_space<semaphore_mem>>) src(%dma_wait3A_171 : memref<1000000x128xf32, #tpu.memory_space<hbm>>) dst(%arg9 : memref<128x128xf32, #tpu.memory_space<vmem>>)
      %dma_start3A_172 = arith.constant 0 : i32
      %dma_start3A_173 = tpu.memref_slice %arg7[%add3A_164, %dma_start3A_172] : memref<50x128xi32, #tpu.memory_space<vmem>> -> memref<1x128xi32, #tpu.memory_space<vmem>>
      %dma_start3A_174 = tpu.memref_squeeze %dma_start3A_173 : memref<1x128xi32, #tpu.memory_space<vmem>> -> memref<128xi32, #tpu.memory_space<vmem>>
      %dma_start3A_175 = arith.constant 0 : i32
      %dma_start3A_176 = arith.constant 0 : i32
      %dma_start3A_177 = tpu.memref_slice %arg12[%dma_start3A_175, %dma_start3A_176] : memref<2048x128xf32, #tpu.memory_space<vmem_shared>> -> memref<2048x128xf32, #tpu.memory_space<vmem_shared>>
      tpu.enqueue_indirect_dma source(%arg9 : memref<128x128xf32, #tpu.memory_space<vmem>>) target(%dma_start3A_177 : memref<2048x128xf32, #tpu.memory_space<vmem_shared>>) offsets(%dma_start3A_174 : memref<128xi32, #tpu.memory_space<vmem>>) semaphore(%arg18 : memref<!tpu.dma_semaphore, #tpu.memory_space<semaphore_mem>>) {add = true}
      %add3A_178 = arith.constant 2 : i32
      %add3A_179 = arith.addi %add3A_164, %add3A_178 : i32
      %le3A_180 = arith.constant 49 : i32
      %le3A_181 = arith.cmpi sle, %add3A_179, %le3A_180 : i32
      %convert_element_type3A_182 = arith.extui %le3A_181 : i1 to i32
      %cond3A_183 = arith.constant 0 : i32
      %cond3A_184 = arith.cmpi ne, %convert_element_type3A_182, %cond3A_183 : i32
      scf.if %cond3A_184 {
        %dma_wait3A_185 = arith.constant 0 : i32
        %dma_wait3A_186 = arith.constant 0 : i32
        %dma_wait3A_187 = tpu.memref_slice %arg12[%dma_wait3A_185, %dma_wait3A_186] : memref<2048x128xf32, #tpu.memory_space<vmem_shared>> -> memref<128x128xf32, #tpu.memory_space<vmem_shared>>
        %dma_wait3A_188 = arith.constant 0 : i32
        %dma_wait3A_189 = arith.constant 0 : i32
        %dma_wait3A_190 = tpu.memref_slice %arg12[%dma_wait3A_188, %dma_wait3A_189] : memref<2048x128xf32, #tpu.memory_space<vmem_shared>> -> memref<128x128xf32, #tpu.memory_space<vmem_shared>>
        tpu.wait_dma2 semaphore(%arg20 : memref<!tpu.dma_semaphore, #tpu.memory_space<semaphore_mem>>) src(%arg11 : memref<128x128xf32, #tpu.memory_space<vmem>>) dst(%dma_wait3A_190 : memref<128x128xf32, #tpu.memory_space<vmem_shared>>)
        %add3A_191 = arith.constant 2 : i32
        %add3A_192 = arith.addi %add3A_164, %add3A_191 : i32
        %dma_start3A_193 = arith.constant 0 : i32
        %dma_start3A_194 = tpu.memref_slice %arg6[%add3A_192, %dma_start3A_193] : memref<50x128xi32, #tpu.memory_space<vmem>> -> memref<1x128xi32, #tpu.memory_space<vmem>>
        %dma_start3A_195 = tpu.memref_squeeze %dma_start3A_194 : memref<1x128xi32, #tpu.memory_space<vmem>> -> memref<128xi32, #tpu.memory_space<vmem>>
        %dma_start3A_196 = arith.constant 0 : i32
        %dma_start3A_197 = arith.constant 0 : i32
        %dma_start3A_198 = tpu.memref_slice %arg4[%dma_start3A_196, %dma_start3A_197] : memref<1000000x128xf32, #tpu.memory_space<hbm>> -> memref<1000000x128xf32, #tpu.memory_space<hbm>>
        tpu.enqueue_indirect_dma source(%dma_start3A_198 : memref<1000000x128xf32, #tpu.memory_space<hbm>>) target(%arg11 : memref<128x128xf32, #tpu.memory_space<vmem>>) offsets(%dma_start3A_195 : memref<128xi32, #tpu.memory_space<vmem>>) semaphore(%arg16 : memref<!tpu.dma_semaphore, #tpu.memory_space<semaphore_mem>>)
      } else {
      }
    }
    %scan3A_70 = arith.constant 12 : i32
    %dma_wait3A_71 = arith.constant 0 : i32
    %dma_wait3A_72 = arith.constant 0 : i32
    %dma_wait3A_73 = tpu.memref_slice %arg12[%dma_wait3A_71, %dma_wait3A_72] : memref<2048x128xf32, #tpu.memory_space<vmem_shared>> -> memref<128x128xf32, #tpu.memory_space<vmem_shared>>
    %dma_wait3A_74 = arith.constant 0 : i32
    %dma_wait3A_75 = arith.constant 0 : i32
    %dma_wait3A_76 = tpu.memref_slice %arg12[%dma_wait3A_74, %dma_wait3A_75] : memref<2048x128xf32, #tpu.memory_space<vmem_shared>> -> memref<128x128xf32, #tpu.memory_space<vmem_shared>>
    tpu.wait_dma2 semaphore(%arg17 : memref<!tpu.dma_semaphore, #tpu.memory_space<semaphore_mem>>) src(%arg8 : memref<128x128xf32, #tpu.memory_space<vmem>>) dst(%dma_wait3A_76 : memref<128x128xf32, #tpu.memory_space<vmem_shared>>)
    %dma_wait3A_77 = arith.constant 0 : i32
    %dma_wait3A_78 = arith.constant 0 : i32
    %dma_wait3A_79 = tpu.memref_slice %arg12[%dma_wait3A_77, %dma_wait3A_78] : memref<2048x128xf32, #tpu.memory_space<vmem_shared>> -> memref<128x128xf32, #tpu.memory_space<vmem_shared>>
    %dma_wait3A_80 = arith.constant 0 : i32
    %dma_wait3A_81 = arith.constant 0 : i32
    %dma_wait3A_82 = tpu.memref_slice %arg12[%dma_wait3A_80, %dma_wait3A_81] : memref<2048x128xf32, #tpu.memory_space<vmem_shared>> -> memref<128x128xf32, #tpu.memory_space<vmem_shared>>
    tpu.wait_dma2 semaphore(%arg18 : memref<!tpu.dma_semaphore, #tpu.memory_space<semaphore_mem>>) src(%arg9 : memref<128x128xf32, #tpu.memory_space<vmem>>) dst(%dma_wait3A_82 : memref<128x128xf32, #tpu.memory_space<vmem_shared>>)
    %dma_wait3A_83 = arith.constant 0 : i32
    %dma_wait3A_84 = arith.constant 0 : i32
    %dma_wait3A_85 = tpu.memref_slice %arg12[%dma_wait3A_83, %dma_wait3A_84] : memref<2048x128xf32, #tpu.memory_space<vmem_shared>> -> memref<128x128xf32, #tpu.memory_space<vmem_shared>>
    %dma_wait3A_86 = arith.constant 0 : i32
    %dma_wait3A_87 = arith.constant 0 : i32
    %dma_wait3A_88 = tpu.memref_slice %arg12[%dma_wait3A_86, %dma_wait3A_87] : memref<2048x128xf32, #tpu.memory_space<vmem_shared>> -> memref<128x128xf32, #tpu.memory_space<vmem_shared>>
    tpu.wait_dma2 semaphore(%arg19 : memref<!tpu.dma_semaphore, #tpu.memory_space<semaphore_mem>>) src(%arg10 : memref<128x128xf32, #tpu.memory_space<vmem>>) dst(%dma_wait3A_88 : memref<128x128xf32, #tpu.memory_space<vmem_shared>>)
    %dma_wait3A_89 = arith.constant 0 : i32
    %dma_wait3A_90 = arith.constant 0 : i32
    %dma_wait3A_91 = tpu.memref_slice %arg12[%dma_wait3A_89, %dma_wait3A_90] : memref<2048x128xf32, #tpu.memory_space<vmem_shared>> -> memref<128x128xf32, #tpu.memory_space<vmem_shared>>
    %dma_wait3A_92 = arith.constant 0 : i32
    %dma_wait3A_93 = arith.constant 0 : i32
    %dma_wait3A_94 = tpu.memref_slice %arg12[%dma_wait3A_92, %dma_wait3A_93] : memref<2048x128xf32, #tpu.memory_space<vmem_shared>> -> memref<128x128xf32, #tpu.memory_space<vmem_shared>>
    tpu.wait_dma2 semaphore(%arg20 : memref<!tpu.dma_semaphore, #tpu.memory_space<semaphore_mem>>) src(%arg11 : memref<128x128xf32, #tpu.memory_space<vmem>>) dst(%dma_wait3A_94 : memref<128x128xf32, #tpu.memory_space<vmem_shared>>)
    "tpu.region"() ({
      %run_scoped3A = tpu.sem_alloc : memref<!tpu.dma_semaphore, #tpu.memory_space<semaphore_mem>>
      %dma_start3A_95 = arith.constant 0 : i32
      %dma_start3A_96 = tpu.memref_slice %arg5[%mul3A_2, %dma_start3A_95] : memref<4096x128xf32, #tpu.memory_space<hbm>> -> memref<128x128xf32, #tpu.memory_space<hbm>>
      %dma_start3A_97 = arith.constant 0 : i32
      %dma_start3A_98 = tpu.memref_slice %arg12[%mul3A_4, %dma_start3A_97] : memref<2048x128xf32, #tpu.memory_space<vmem_shared>> -> memref<128x128xf32, #tpu.memory_space<vmem_shared>>
      tpu.enqueue_dma source(%dma_start3A_98 : memref<128x128xf32, #tpu.memory_space<vmem_shared>>) target(%dma_start3A_96 : memref<128x128xf32, #tpu.memory_space<hbm>>) target_semaphore(%run_scoped3A : memref<!tpu.dma_semaphore, #tpu.memory_space<semaphore_mem>>)
      %dma_wait3A_99 = arith.constant 0 : i32
      %dma_wait3A_100 = tpu.memref_slice %arg5[%mul3A_2, %dma_wait3A_99] : memref<4096x128xf32, #tpu.memory_space<hbm>> -> memref<128x128xf32, #tpu.memory_space<hbm>>
      %dma_wait3A_101 = arith.constant 0 : i32
      %dma_wait3A_102 = tpu.memref_slice %arg12[%mul3A_4, %dma_wait3A_101] : memref<2048x128xf32, #tpu.memory_space<vmem_shared>> -> memref<128x128xf32, #tpu.memory_space<vmem_shared>>
      tpu.wait_dma2 semaphore(%run_scoped3A : memref<!tpu.dma_semaphore, #tpu.memory_space<semaphore_mem>>) src(%dma_wait3A_102 : memref<128x128xf32, #tpu.memory_space<vmem_shared>>) dst(%dma_wait3A_100 : memref<128x128xf32, #tpu.memory_space<hbm>>)
      tpu.yield
    }) : () -> ()
    return
  }
}

module attributes {stable_mosaic.version = 14 : i64} {
  func.func @_fc_body(%arg0: i32, %arg1: memref<1024x128xf32, #tpu.memory_space<vmem>>, %arg2: memref<128x32xf32, #tpu.memory_space<vmem>>, %arg3: memref<1x32xf32, #tpu.memory_space<vmem>>, %arg4: memref<1024x32xf32, #tpu.memory_space<vmem>>) attributes {dimension_semantics = [#tpu.dimension_semantics<arbitrary>], iteration_bounds = array<i64: 4>, scalar_prefetch = 0 : i64, scratch_operands = 0 : i64, tpu.core_type = #tpu.core_type<tc>, window_params = [{transform_indices = @transform_0, window_bounds = array<i64: 1024, 128>}, {pipeline_mode = #tpu.pipeline_mode<synchronous>, transform_indices = @transform_1, window_bounds = array<i64: 128, 32>}, {pipeline_mode = #tpu.pipeline_mode<synchronous>, transform_indices = @transform_2, window_bounds = array<i64: 1, 32>}, {transform_indices = @transform_3, window_bounds = array<i64: 1024, 32>}]} {
    %get3A = arith.constant 0 : index
    %get3A_0 = arith.constant 0 : index
    %get3A_1 = vector.load %arg1[%get3A, %get3A_0] : memref<1024x128xf32, #tpu.memory_space<vmem>>, vector<1024x128xf32>
    %mul3A = arith.constant 2.000000e-02 : f32
    %mul3A_2 = vector.broadcast %mul3A : f32 to vector<1024x128xf32>
    %mul3A_3 = arith.mulf %get3A_1, %mul3A_2 : vector<1024x128xf32>
    %get3A_4 = arith.constant 0 : index
    %get3A_5 = arith.constant 0 : index
    %get3A_6 = vector.load %arg2[%get3A_4, %get3A_5] : memref<128x32xf32, #tpu.memory_space<vmem>>, vector<128x32xf32>
    %dot_general3A = arith.constant dense<0.000000e+00> : vector<1024x32xf32>
    %dot_general3A_7 = tpu.matmul %mul3A_3, %get3A_6, %dot_general3A {dimension_numbers = #tpu.dot_dimension_numbers<[1], [0], [0], [1], [0, 0, 1, 1], [], []>, transpose_lhs_hint = false} : vector<1024x128xf32>, vector<128x32xf32>, vector<1024x32xf32> -> vector<1024x32xf32>
    %get3A_8 = arith.constant 0 : index
    %get3A_9 = arith.constant 0 : index
    %get3A_10 = vector.load %arg3[%get3A_8, %get3A_9] : memref<1x32xf32, #tpu.memory_space<vmem>>, vector<1x32xf32>
    %add3A = vector.broadcast %get3A_10 : vector<1x32xf32> to vector<1024x32xf32>
    %add3A_11 = arith.addf %dot_general3A_7, %add3A : vector<1024x32xf32>
    %swap3A = arith.constant 0 : index
    %swap3A_12 = arith.constant 0 : index
    %swap3A_13 = vector.load %arg4[%swap3A, %swap3A_12] : memref<1024x32xf32, #tpu.memory_space<vmem>>, vector<1024x32xf32>
    tpu.vector_store %arg4[%swap3A, %swap3A_12], %add3A_11 {strides = array<i32>} : memref<1024x32xf32, #tpu.memory_space<vmem>>, vector<1024x32xf32>,
    return
  }
  func.func @transform_0(%arg0: i32) -> (i32, i32) {
    %c0_i32 = arith.constant 0 : i32
    %c0_i32_0 = arith.constant 0 : i32
    return %arg0, %c0_i32 : i32, i32
  }
  func.func @transform_1(%arg0: i32) -> (i32, i32) {
    %c0_i32 = arith.constant 0 : i32
    %c0_i32_0 = arith.constant 0 : i32
    %c0_i32_1 = arith.constant 0 : i32
    return %c0_i32, %c0_i32_0 : i32, i32
  }
  func.func @transform_2(%arg0: i32) -> (i32, i32) {
    %c0_i32 = arith.constant 0 : i32
    %c0_i32_0 = arith.constant 0 : i32
    %c0_i32_1 = arith.constant 0 : i32
    return %c0_i32, %c0_i32_0 : i32, i32
  }
  func.func @transform_3(%arg0: i32) -> (i32, i32) {
    %c0_i32 = arith.constant 0 : i32
    %c0_i32_0 = arith.constant 0 : i32
    return %arg0, %c0_i32 : i32, i32
  }
}

</mosaic_0001>

<sc_bundles>
// kernel: kernel.4.cloned.1.call-start
scs
__scs_entry_jumppad:
0x0: {  	(pc) =	sbr.rel $0x88, $3  }
0x1: {  	(tag) =	ssettag $0x0;
	lr =	simm.s32 $0x1  }
0x2: {  	[smem:$0x3F9D] =	sst lr;
	_ =	strace $0xD0000000  }
0x3: {  	_ = 	snop  }
0x4: {  	_ = 	snop  }
0x5: {  	_ = 	snop  }
0x6: {  	_ = 	snop  }
0x7: {  	_ = 	snop  }
__scs_overlays_trampoline_lowered:
0x8: {  	[smem:$0x3FAC] =	sst s0  }
0x9: {  	[smem:$0x3FAD] =	sst s1  }
0xa: {  	[smem:$0x3FAE] =	sst s2  }
0xb: {  	[smem:$0x3FAF] =	sst s3  }
0xc: {  	[smem:$0x3FB0] =	sst s4  }
0xd: {  	[smem:$0x3FB1] =	sst s5  }
0xe: {  	[smem:$0x3FB2] =	sst s6  }
0xf: {  	[smem:$0x3FB3] =	sst s7  }
0x10: {  	[smem:$0x3FB4] =	sst s8  }
0x11: {  	[smem:$0x3FB5] =	sst s9;
	s0 =	simm.s32 @!p0 $0x0  }
0x12: {  	s1 =	sld [smem:$0x3F9B];
	s0 =	simm.s32 @p0 $0x1  }
0x13: {  	[smem:$0x3FB6] =	sst s0;
	s0 =	simm.s32 @!p1 $0x0  }
0x14: {  	s2 =	sld [smem:$0x3F9A];
	s0 =	simm.s32 @p1 $0x1  }
0x15: {  	[smem:$0x3FB7] =	sst s0;
	s0 =	simm.s32 @!p2 $0x0  }
0x16: {  	s3 =	sld [smem:$0x3FDB];
	s0 =	simm.s32 @p2 $0x1  }
0x17: {  	s4 =	simm.s32 $0x1BF5;
	[smem:$0x3FB9] =	sst s0  }
0x18: {  	s0 =	sld [smem:$0x3F9C];
	_ =	swait.ge [sflag:s4], $0x0  }
0x19: {  	s7 =	sld [smem:$0x3F9D]  }
0x1a: {  	s8 =	sadd.s32 $0xFFFFE003, lr  }
0x1b: {  	s9 =	sadd.s32 $0xFFFFFEF7, lr;
	s5 =	simm.s32 $0xFFFFFFFF;
	p2 =	slt.u32 s8, $0xFFFFF086  }
0x1c: {  	p1 =	slt.u32 s9, $0xF7A;
	s5 =	simm.s32 @!p2 $0x0  }
0x1d: {  	s5 =	simm.s32 @p1 $0x1;
	p0 =	seq.s32 s7, s2  }
0x1e: {  	s7 =	smul.u32 @!p0 $0xF7A, s2;
	p2 =	seq.s32 @!p0 s5, $0x0  }
0x1f: {  	s9 =	smul.u32 $0xF7A, s1;
	s8 =	simm.s32 @!p0 $0x1BF5;
	p2 =	por !p2, p0  }
0x20: {  	[sflag:s8] =	ssyncset.s32 @!p0 $0xFFFFF086;
	s6 =	sadd.s32 @!p0 s3, s7;
	s7 =	simm.s32 @!p0 $0x108  }
0x21: {  	s3 =	sadd.s32 s3, s9;
	s6 =	sadd.s32 @!p0 $0x88, s6;
	s7 =	simm.s32 @p2 $0x1082  }
0x22: {  	[simem:s7], [sflag:s8] =	dma.local @!p0 [hbm:s6], $0xF7A  }
0x23: {  	s9 =	sor.u32 $0xD0000000, s2;
	s6 =	simm.s32 $0x108;
	_ =	swait.ge @!p0 [sflag:s8], $0x0  }
0x24: {  	s3 =	sadd.s32 $0x88, s3;
	s6 =	simm.s32 @!p1 $0x1082;
	[sflag:s4] =	ssyncset.s32 $0xFFFFF086  }
0x25: {  	[simem:s6], [sflag:s4] =	dma.local [hbm:s3], $0xF7A  }
0x26: {  	[smem:$0x3F9D] =	sst s1;
	(tag) =	ssettag s2;
	_ =	strace s9  }
0x27: {  	s1 =	sld [smem:$0x3FAD]  }
0x28: {  	s2 =	sld [smem:$0x3FAE]  }
0x29: {  	s4 =	sld [smem:$0x3FB0]  }
0x2a: {  	p0 =	seq.s32 s5, $0x0;
	s5 =	sld [smem:$0x3FB1]  }
0x2b: {  	s6 =	sld [smem:$0x3FB2]  }
0x2c: {  	s7 =	sld [smem:$0x3FB3]  }
0x2d: {  	s3 =	simm.s32 $0x108;
	s8 =	sld [smem:$0x3FB4]  }
0x2e: {  	s3 =	simm.s32 @!p0 $0x1082;
	s9 =	sld [smem:$0x3FB5]  }
0x2f: {  	lr =	sadd.s32 s0, s3;
	s0 =	sld [smem:$0x3FAC]  }
0x30: {  	s3 =	sld [smem:$0x3FAF]  }
0x31: {  	[smem:$0x3FB8] =	sst s10  }
0x32: {  	s10 =	sld [smem:$0x3FB6];
	_ =	sdelay $0x3  }
0x33: {  	p0 =	seq.s32 s10, $0x1;
	s10 =	sld [smem:$0x3FB8];
	_ =	sdelay $0x3  }
0x34: {  	[smem:$0x3FB8] =	sst s10  }
0x35: {  	s10 =	sld [smem:$0x3FB7];
	_ =	sdelay $0x3  }
0x36: {  	p1 =	seq.s32 s10, $0x1;
	s10 =	sld [smem:$0x3FB8];
	_ =	sdelay $0x3  }
0x37: {  	[smem:$0x3FB8] =	sst s10  }
0x38: {  	s10 =	sld [smem:$0x3FB9]  }
0x39: {  	_ = 	snop;
	(pc) =	sbr.ind lr, $3  }
0x3a: {  	_ = 	snop  }
0x3b: {  	_ = 	snop  }
0x3c: {  	p2 =	seq.s32 s10, $0x1;
	s10 =	sld [smem:$0x3FB8]  }
0x3d: {  	_ =	shalt  }
0x3e: {  	_ =	shalt  }
0x3f: {  	_ =	shalt  }
0x40: {  	_ =	shalt  }
0x41: {  	_ =	shalt  }
0x42: {  	_ =	shalt  }
0x43: {  	_ =	shalt  }
0x44: {  	_ =	shalt  }
0x45: {  	_ =	shalt  }
0x46: {  	_ =	shalt  }
0x47: {  	_ =	shalt  }
0x48: {  	_ =	shalt  }
0x49: {  	_ =	shalt  }
0x4a: {  	_ =	shalt  }
0x4b: {  	_ =	shalt  }
0x4c: {  	_ =	shalt  }
0x4d: {  	_ =	shalt  }
0x4e: {  	_ =	shalt  }
0x4f: {  	_ =	shalt  }
0x50: {  	_ =	shalt  }
0x51: {  	_ =	shalt  }
0x52: {  	_ =	shalt  }
0x53: {  	_ =	shalt  }
0x54: {  	_ =	shalt  }
0x55: {  	_ =	shalt  }
0x56: {  	_ =	shalt  }
0x57: {  	_ =	shalt  }
0x58: {  	_ =	shalt  }
0x59: {  	_ =	shalt  }
0x5a: {  	_ =	shalt  }
0x5b: {  	_ =	shalt  }
0x5c: {  	_ =	shalt  }
0x5d: {  	_ =	shalt  }
0x5e: {  	_ =	shalt  }
0x5f: {  	_ =	shalt  }
0x60: {  	_ =	shalt  }
0x61: {  	_ =	shalt  }
0x62: {  	_ =	shalt  }
0x63: {  	_ =	shalt  }
0x64: {  	_ =	shalt  }
0x65: {  	_ =	shalt  }
0x66: {  	_ =	shalt  }
0x67: {  	_ =	shalt  }
0x68: {  	_ =	shalt  }
0x69: {  	_ =	shalt  }
0x6a: {  	_ =	shalt  }
0x6b: {  	_ =	shalt  }
0x6c: {  	_ =	shalt  }
0x6d: {  	_ =	shalt  }
0x6e: {  	_ =	shalt  }
0x6f: {  	_ =	shalt  }
0x70: {  	_ =	shalt  }
0x71: {  	_ =	shalt  }
0x72: {  	_ =	shalt  }
0x73: {  	_ =	shalt  }
0x74: {  	_ =	shalt  }
0x75: {  	_ =	shalt  }
0x76: {  	_ =	shalt  }
0x77: {  	_ =	shalt  }
0x78: {  	_ =	shalt  }
0x79: {  	_ =	shalt  }
0x7a: {  	_ =	shalt  }
0x7b: {  	_ =	shalt  }
0x7c: {  	_ =	shalt  }
0x7d: {  	_ =	shalt  }
0x7e: {  	_ =	shalt  }
0x7f: {  	_ =	shalt  }
0x80: {  	_ =	shalt  }
0x81: {  	_ =	shalt  }
0x82: {  	_ =	shalt  }
0x83: {  	_ =	shalt  }
0x84: {  	_ =	shalt  }
0x85: {  	_ =	shalt  }
0x86: {  	_ =	shalt  }
0x87: {  	_ =	shalt  }
.Lfunc_end0:
.L_simem_size_0:
called_computation_lowered:
.L_overlay_start_0:
0x88: {  	s2 =	sld [smem:$0x3FD9]  }
0x89: {  	s3 =	sld [smem:$0x3FFE];
	_ =	sdelay $0x1  }
0x8a: {  	s1 =	srdreg.scid  }
0x8b: {  	s0 =	sand.u32 $0x1, s1  }
0x8c: {  	s17 =	sshll.u32 s0, $0xA;
	s2 =	sadd.s32 s3, s2  }
0x8d: {  	s2 =	sadd.s32 s2, s17  }
0x8e: {  	[smem:$0x3FC4] =	sst s2  }
0x8f: {  	_ = 	snop  }
0x90: {  	s2 =	sld [smem:$0x3FC8]  }
0x91: {  	s18 =	sld [smem:$0x3FD0];
	(tm) =	ssettm $0x1  }
0x92: {  	s4 =	sld [smem:$0x3FFB];
	_ =	sdelay $0x3  }
0x93: {  	_ =	strace s4  }
0x94: {  	s4 =	sld [smem:$0x3FFC];
	_ =	sdelay $0x3  }
0x95: {  	_ =	strace s4  }
0x96: {  	s4 =	sld [smem:$0x3FFD];
	_ =	sdelay $0x3  }
0x97: {  	_ =	strace s4  }
0x98: {  	_ =	strace $0x8FFFFFFF  }
0x99: {  	s19 =	sld [smem:$0x3FDB];
	_ =	sdelay $0x1  }
0x9a: {  	s5 =	simm.s32 $_scs_section_size  }
0x9b: {  	s6 =	simm.s32 $_size__tile_overlayer_lowered;
	s7 =	simm.s32 $_tile_overlayer_lowered  }
0x9c: {  	s22 =	simm.s32 $0x1BFF;
	s21 =	sshll.u32 s7, $0x1;
	s4 =	sadd.s32 s5, s19  }
0x9d: {  	s8 =	simm.s32 $0x0;
	s20 =	sshll.u32 s6, $0x1;
	s6 =	sadd.s32 s21, s4  }
0x9e: {  	[timem:s8], [sflag:s22] =	dma.local [hbm:s6], s20  }
0x9f: {  	_ =	swait.ge [sflag:s22], s20  }
0xa0: {  	s5 =	ssub.s32 $0x0, s20;
	[sflag:s22] =	ssyncset.done $0x0  }
0xa1: {  	[sflag:s22] =	ssyncadd.s32 s5;
	_ =	sdelay $0x1  }
0xa2: {  	s23 =	simm.s32 $0x1B8B  }
0xa3: {  	_ =	swait.ge [sflag:s23], $0x1  }
0xa4: {  	[sflag:s23] =	ssyncset.done $0x0  }
0xa5: {  	s25 =	simm.s32 $0x1B8E;
	s24 =	sld [smem:$0x3FFE];
	[sflag:s23] =	ssyncadd.s32 $0xFFFFFFFF  }
0xa6: {  	s26 =	simm.s32 $execute0_lowered;
	[smem:$0x3FD2] =	sst s25  }
0xa7: {  	s6 =	sshll.u32 s26, $0x1;
	_ =	strace $0x80000046;
	[dreg:$0x1] =	wrdreg $0xFFFFFFFF  }
0xa8: {  	s28 =	simm.s32 $_size_execute0_lowered;
	s4 =	sadd.s32 s4, s6;
	[dreg:$0x0] =	wrdreg $0x0  }
0xa9: {  	s6 =	sshll.u32 s28, $0x1;
	[dreg:$0x2] =	wrdreg s4  }
0xaa: {  	[dreg:$0x3] =	wrdreg s6  }
0xab: {  	[dreg:$0x4] =	wrdreg $0xC0  }
0xac: {  	_ =	task [dreg:s8], $0x5FFFF  }
0xad: {  	[dreg:$0x1] =	wrdreg $0xFFFFFFFF  }
0xae: {  	[dreg:$0x0] =	wrdreg $0x60  }
0xaf: {  	[dreg:$0x2] =	wrdreg s24  }
0xb0: {  	[dreg:$0x3] =	wrdreg s18  }
0xb1: {  	[dreg:$0x4] =	wrdreg s2  }
0xb2: {  	[dreg:$0x5] =	wrdreg $0x138000  }
0xb3: {  	[dreg:$0x6] =	wrdreg $0x9  }
0xb4: {  	_ =	task.clear_ibuf [dreg:s8], $0x7FFFF;
	_ =	strace $0x90000046  }
0xb5: {  	s29 =	simm.s32 $0x9;
	_ =	strace $0x80000048  }
0xb6: {  	_ =	swait.ge [sflag:s29], $0x1  }
0xb7: {  	[sflag:s29] =	ssyncadd.s32 $0xFFFFFFFF  }
0xb8: {  	_ =	strace $0x90000048  }
0xb9: {  	_ =	sfence  }
0xba: {  	s30 =	sld [smem:$0x0];
	_ =	sdelay $0x2  }
0xbb: {  	s31 =	sshll.u32 s1, $0xD;
	s1 =	sshrl.u32 s1, $0x2  }
0xbc: {  	s3 =	sand.u32 $0x4000, s31;
	s1 =	sadd.s32 s1, s30  }
0xbd: {  	s0 =	sor.u32 s3, s0;
	s1 =	sshll.u32 s1, $0x11  }
0xbe: {  	s0 =	sor.u32 s1, s0  }
0xbf: {  	s0 =	sadd.s32 $0x8F2B, s0  }
0xc0: {  	[sflag:s0] =	ssyncadd.remote.s32 $0x1  }
0xc1: {  	_ =	sfence.sel $0xFFFF  }
0xc2: {  	[dreg:$0x0] =	wrdreg $0xFFFFFFFF;
	(pc) =	sbr.abs _section_cstart, $3  }
0xc3: {  	[dreg:$0x1] =	wrdreg $0xFFFFFFFF  }
0xc4: {  	_ =	task.clear_ibuf [dreg:s8], $0x2FFFF;
	_ =	strace $0x9FFFFFFF  }
0xc5: {  	(tm) =	ssettm $0x7FFFFFFF  }
tec
execute0_lowered:
.L_overlay_start_1:
0x0: {  	(tag) =	ssettag $0x1  }
0x1: {  	s0 =	rddreg [dreg:$0x0]  }
0x2: {  	s6 =	rddreg [dreg:$0x1]  }
0x3: {  	s1 =	srdreg.scid;
	s2 =	rddreg [dreg:$0x2]  }
0x4: {  	s10 =	stileid.u32;
	s3 =	rddreg [dreg:$0x3];
	s11 =	simm.s32 $0x1C00  }
0x5: {  	s12 =	simm.s32 $0x3800;
	s13 =	simm.s32 $0x80;
	s14 =	simm.s32 $0x7800  }
0x6: {  	s15 =	simm.s32 $0x1;
	s17 =	simm.s32 $0xB800;
	s18 =	simm.s32 $0x2  }
0x7: {  	s21 =	simm.s32 $0xF800;
	s22 =	simm.s32 $0x3;
	s23 =	simm.s32 $0x5  }
0x8: {  	s24 =	simm.s32 $0x4;
	s25 =	simm.s32 $0x6;
	s26 =	simm.s32 $0x7  }
0x9: {  	s28 =	simm.s32 $0x8;
	s31 =	simm.s32 $0x3380;
	s16 =	simm.s32 $0x3400  }
0xa: {  	s19 =	simm.s32 $0x0;
	s1 =	sand.u32 $0x1, s1;
	s9 =	smul.u32 $0x380, s10  }
0xb: {  	s30 =	sshll.u32 s10, $0xE;
	s4 =	sshll.u32 s1, $0x4;
	s1 =	ssub.s32 $0x2, s1  }
0xc: {  	s5 =	sor.u32 s10, s4;
	s4 =	simm.s32 $0x0;
	s8 =	sshrl.u32 s1, $0x1  }
0xd: {  	s6 =	sadd.s32 s6, s9;
	s10 =	simm.s32 $0x9;
	s7 =	smul.u32 $0x380, s5  }
0xe: {  	[smem:$0x7FF] =	sst s4;
	s5 =	sshll.u32 s5, $0xB;
	s1 =	ssub.s32 s1, s8  }
0xf: {  	_ =	strace $0x80000047;
	s9 =	smax.u32 s1, $0x1;
	s7 =	sadd.s32 s7, s0  }
0x10: {  	s1 =	simm.s32 $0x1880;
	s0 =	sadd.s32 s5, s0;
	s5 =	sadd.s32 $0xA00, s7  }
0x11: {  	v0 =	vimm.f32 $0.0e+00;
	s7 =	sadd.s32 s30, s3;
	s8 =	sadd.s32 $0x7A00, s0;
	s0 =	simm.s32 $0x3480  }
.LBB2_1:
0x12: {  	[tilespmem:s4], [sflag:$0x9] =	stream.linear.gather [hbm4b:s5+s4], $0x1900, $0x38;
	[tilespmem:$0x17800] =	vst v63  }
0x13: {  	_ =	swait.ge [sflag:s10], $0x1900  }
0x14: {  	[sflag:s10] =	ssyncset.done $0x0  }
0x15: {  	[sflag:s10] =	ssyncadd.s32 $0xFFFFE700  }
0x16: {  	[tilespmem:s11], [sflag:$0x9] =	stream.linear.gather [hbm4b:s6+s4], $0x1900, $0x38;
	[tilespmem:$0x17800] =	vst v63  }
0x17: {  	_ =	swait.ge [sflag:s10], $0x1900  }
0x18: {  	[sflag:s10] =	ssyncset.done $0x0  }
0x19: {  	s20 =	simm.s32 $0x0;
	s29 =	simm.s32 $0x200;
	[sflag:s10] =	ssyncadd.s32 $0xFFFFE700  }
.LBB2_2:
0x1a: {  	p0 =	sne.s32 s29, $0xFE00;
	[tilespmem:s20+$0x3870] =	vst v0  }
0x1b: {  	[tilespmem:s20+$0x3800] =	vst v0  }
0x1c: {  	[tilespmem:s20+$0x3810] =	vst v0  }
.Ltmp0:
0x1d: {  	[tilespmem:s20+$0x3820] =	vst v0;
	(pc) =	sbr.rel @p0 .LBB2_2-.Ltmp0, $4  }
0x1e: {  	[tilespmem:s20+$0x3830] =	vst v0  }
0x1f: {  	[tilespmem:s20+$0x3840] =	vst v0  }
0x20: {  	[tilespmem:s20+$0x3850] =	vst v0  }
0x21: {  	[tilespmem:s20+$0x3860] =	vst v0;
	s20 =	sshra.s32 s29, $0x2;
	s29 =	sadd.s32 $0x200, s29  }
0x22: {  	[tilespmem:s20+$0x3870] =	vst v0  }
0x23: {  	[tilespmem:s20+$0x3800] =	vst v0  }
0x24: {  	[tilespmem:s20+$0x3810] =	vst v0  }
0x25: {  	[tilespmem:s20+$0x3820] =	vst v0  }
0x26: {  	[tilespmem:s20+$0x3830] =	vst v0  }
0x27: {  	[tilespmem:s20+$0x3840] =	vst v0  }
0x28: {  	[tilespmem:s20+$0x3850] =	vst v0  }
0x29: {  	[tilespmem:s20+$0x3860] =	vst v0  }
0x2a: {  	[spmem:s7] =	stream.linear.scatter [tilespmem:s12], [sflag:$0x9], $0x4000, $0x38;
	[tilespmem:$0x17800] =	vst v63  }
0x2b: {  	_ =	swait.ge [sflag:s10], $0x4000  }
0x2c: {  	[sflag:s10] =	ssyncset.done $0x0  }
0x2d: {  	s30 =	simm.s32 $0x0;
	[sflag:s10] =	ssyncadd.s32 $0xFFFFC000  }
0x2e: {  	[tilespmem:s12], [sflag:$0x1] =	stream.indirect.gather [hbm4b:s2+s13], $0x80, s30, s13, $0xb8;
	[tilespmem:$0x17800] =	vst v63  }
0x2f: {  	_ = 	snop  }
0x30: {  	[tilespmem:s14], [sflag:$0x2] =	stream.indirect.gather [hbm4b:s2+s13], $0x80, s13, s13, $0xb8;
	[tilespmem:$0x17800] =	vst v63  }
0x31: {  	_ =	swait.ge [sflag:s15], $0x4000  }
0x32: {  	[sflag:s15] =	ssyncset.done $0x0  }
0x33: {  	[sflag:s15] =	ssyncadd.s32 $0xFFFFC000  }
0x34: {  	[spmem:s3] =	stream.indirect.scatter.add.f32 [tilespmem:s12], [sflag:$0x5], $0x80, s11, s13, $0xb8;
	[tilespmem:$0x17800] =	vst v63  }
0x35: {  	s30 =	simm.s32 $0x100  }
0x36: {  	[tilespmem:s17], [sflag:$0x3] =	stream.indirect.gather [hbm4b:s2+s13], $0x80, s30, s13, $0xb8;
	[tilespmem:$0x17800] =	vst v63  }
0x37: {  	_ =	swait.ge [sflag:s18], $0x4000  }
0x38: {  	[sflag:s18] =	ssyncset.done $0x0  }
0x39: {  	s30 =	simm.s32 $0x1C80;
	[sflag:s18] =	ssyncadd.s32 $0xFFFFC000  }
0x3a: {  	[spmem:s3] =	stream.indirect.scatter.add.f32 [tilespmem:s14], [sflag:$0x6], $0x80, s30, s13, $0xb8;
	[tilespmem:$0x17800] =	vst v63  }
0x3b: {  	s30 =	simm.s32 $0x180  }
0x3c: {  	[tilespmem:s21], [sflag:$0x4] =	stream.indirect.gather [hbm4b:s2+s13], $0x80, s30, s13, $0xb8;
	[tilespmem:$0x17800] =	vst v63  }
0x3d: {  	_ =	swait.ge [sflag:s22], $0x4000  }
0x3e: {  	[sflag:s22] =	ssyncset.done $0x0  }
0x3f: {  	s30 =	simm.s32 $0x1D00;
	[sflag:s22] =	ssyncadd.s32 $0xFFFFC000  }
0x40: {  	[spmem:s3] =	stream.indirect.scatter.add.f32 [tilespmem:s17], [sflag:$0x7], $0x80, s30, s13, $0xb8;
	[tilespmem:$0x17800] =	vst v63  }
0x41: {  	_ =	swait.ge [sflag:s23], $0x4000  }
0x42: {  	[sflag:s23] =	ssyncset.done $0x0  }
0x43: {  	s30 =	simm.s32 $0x200;
	[sflag:s23] =	ssyncadd.s32 $0xFFFFC000  }
0x44: {  	[tilespmem:s12], [sflag:$0x1] =	stream.indirect.gather [hbm4b:s2+s13], $0x80, s30, s13, $0xb8;
	[tilespmem:$0x17800] =	vst v63  }
0x45: {  	_ =	swait.ge [sflag:s24], $0x4000  }
0x46: {  	[sflag:s24] =	ssyncset.done $0x0  }
0x47: {  	s30 =	simm.s32 $0x1D80;
	[sflag:s24] =	ssyncadd.s32 $0xFFFFC000  }
0x48: {  	[spmem:s3] =	stream.indirect.scatter.add.f32 [tilespmem:s21], [sflag:$0x8], $0x80, s30, s13, $0xb8;
	[tilespmem:$0x17800] =	vst v63  }
0x49: {  	_ =	swait.ge [sflag:s25], $0x4000  }
0x4a: {  	[sflag:s25] =	ssyncset.done $0x0  }
0x4b: {  	s30 =	simm.s32 $0x280;
	[sflag:s25] =	ssyncadd.s32 $0xFFFFC000  }
0x4c: {  	[tilespmem:s14], [sflag:$0x2] =	stream.indirect.gather [hbm4b:s2+s13], $0x80, s30, s13, $0xb8;
	[tilespmem:$0x17800] =	vst v63  }
0x4d: {  	_ =	swait.ge [sflag:s15], $0x4000  }
0x4e: {  	[sflag:s15] =	ssyncset.done $0x0  }
0x4f: {  	s30 =	simm.s32 $0x1E00;
	[sflag:s15] =	ssyncadd.s32 $0xFFFFC000  }
0x50: {  	[spmem:s3] =	stream.indirect.scatter.add.f32 [tilespmem:s12], [sflag:$0x5], $0x80, s30, s13, $0xb8;
	[tilespmem:$0x17800] =	vst v63  }
0x51: {  	_ =	swait.ge [sflag:s26], $0x4000  }
0x52: {  	[sflag:s26] =	ssyncset.done $0x0  }
0x53: {  	s30 =	simm.s32 $0x300;
	[sflag:s26] =	ssyncadd.s32 $0xFFFFC000  }
0x54: {  	[tilespmem:s17], [sflag:$0x3] =	stream.indirect.gather [hbm4b:s2+s13], $0x80, s30, s13, $0xb8;
	[tilespmem:$0x17800] =	vst v63  }
0x55: {  	_ =	swait.ge [sflag:s18], $0x4000  }
0x56: {  	[sflag:s18] =	ssyncset.done $0x0  }
0x57: {  	s30 =	simm.s32 $0x1E80;
	[sflag:s18] =	ssyncadd.s32 $0xFFFFC000  }
0x58: {  	[spmem:s3] =	stream.indirect.scatter.add.f32 [tilespmem:s14], [sflag:$0x6], $0x80, s30, s13, $0xb8;
	[tilespmem:$0x17800] =	vst v63  }
0x59: {  	_ =	swait.ge [sflag:s28], $0x4000  }
0x5a: {  	[sflag:s28] =	ssyncset.done $0x0  }
0x5b: {  	s20 =	simm.s32 $0x800;
	s29 =	simm.s32 $0x380;
	[sflag:s28] =	ssyncadd.s32 $0xFFFFC000  }
.LBB2_4:
0x5c: {  	[tilespmem:s21], [sflag:$0x4] =	stream.indirect.gather [hbm4b:s2+s13], $0x80, s29, s13, $0xb8;
	[tilespmem:$0x17800] =	vst v63  }
0x5d: {  	s29 =	smov.u32 s20  }
0x5e: {  	p0 =	sne.s32 s20, $0x5000;
	s20 =	sadd.s32 $0x800, s20;
	_ =	swait.ge [sflag:s22], $0x4000  }
0x5f: {  	s29 =	sshra.s32 s29, $0x2;
	[sflag:s22] =	ssyncset.done $0x0  }
0x60: {  	s30 =	sadd.s32 $0x1D00, s29;
	[sflag:s22] =	ssyncadd.s32 $0xFFFFC000  }
0x61: {  	[spmem:s3] =	stream.indirect.scatter.add.f32 [tilespmem:s17], [sflag:$0x7], $0x80, s30, s13, $0xb8;
	[tilespmem:$0x17800] =	vst v63  }
0x62: {  	_ =	swait.ge [sflag:s23], $0x4000  }
0x63: {  	[sflag:s23] =	ssyncset.done $0x0  }
0x64: {  	s30 =	sadd.s32 $0x200, s29;
	[sflag:s23] =	ssyncadd.s32 $0xFFFFC000  }
0x65: {  	[tilespmem:s12], [sflag:$0x1] =	stream.indirect.gather [hbm4b:s2+s13], $0x80, s30, s13, $0xb8;
	[tilespmem:$0x17800] =	vst v63  }
0x66: {  	_ =	swait.ge [sflag:s24], $0x4000  }
0x67: {  	[sflag:s24] =	ssyncset.done $0x0  }
0x68: {  	s30 =	sadd.s32 $0x1D80, s29;
	[sflag:s24] =	ssyncadd.s32 $0xFFFFC000  }
0x69: {  	[spmem:s3] =	stream.indirect.scatter.add.f32 [tilespmem:s21], [sflag:$0x8], $0x80, s30, s13, $0xb8;
	[tilespmem:$0x17800] =	vst v63  }
0x6a: {  	_ =	swait.ge [sflag:s25], $0x4000  }
0x6b: {  	[sflag:s25] =	ssyncset.done $0x0  }
0x6c: {  	s30 =	sadd.s32 $0x280, s29;
	[sflag:s25] =	ssyncadd.s32 $0xFFFFC000  }
0x6d: {  	[tilespmem:s14], [sflag:$0x2] =	stream.indirect.gather [hbm4b:s2+s13], $0x80, s30, s13, $0xb8;
	[tilespmem:$0x17800] =	vst v63  }
0x6e: {  	_ =	swait.ge [sflag:s15], $0x4000  }
0x6f: {  	[sflag:s15] =	ssyncset.done $0x0  }
0x70: {  	s30 =	sadd.s32 $0x1E00, s29;
	[sflag:s15] =	ssyncadd.s32 $0xFFFFC000  }
0x71: {  	[spmem:s3] =	stream.indirect.scatter.add.f32 [tilespmem:s12], [sflag:$0x5], $0x80, s30, s13, $0xb8;
	[tilespmem:$0x17800] =	vst v63  }
0x72: {  	_ =	swait.ge [sflag:s26], $0x4000  }
0x73: {  	[sflag:s26] =	ssyncset.done $0x0  }
0x74: {  	s30 =	sadd.s32 $0x300, s29;
	[sflag:s26] =	ssyncadd.s32 $0xFFFFC000  }
0x75: {  	[tilespmem:s17], [sflag:$0x3] =	stream.indirect.gather [hbm4b:s2+s13], $0x80, s30, s13, $0xb8;
	[tilespmem:$0x17800] =	vst v63  }
0x76: {  	_ =	swait.ge [sflag:s18], $0x4000  }
0x77: {  	[sflag:s18] =	ssyncset.done $0x0  }
.Ltmp1:
0x78: {  	s30 =	sadd.s32 $0x1E80, s29;
	[sflag:s18] =	ssyncadd.s32 $0xFFFFC000;
	(pc) =	sbr.rel @p0 .LBB2_4-.Ltmp1, $4  }
0x79: {  	[spmem:s3] =	stream.indirect.scatter.add.f32 [tilespmem:s14], [sflag:$0x6], $0x80, s30, s13, $0xb8;
	[tilespmem:$0x17800] =	vst v63  }
0x7a: {  	_ =	swait.ge [sflag:s28], $0x4000  }
0x7b: {  	[sflag:s28] =	ssyncset.done $0x0  }
0x7c: {  	s29 =	sadd.s32 $0x380, s29;
	[sflag:s28] =	ssyncadd.s32 $0xFFFFC000  }
0x7d: {  	[tilespmem:s21], [sflag:$0x4] =	stream.indirect.gather [hbm4b:s2+s13], $0x80, s29, s13, $0xb8;
	[tilespmem:$0x17800] =	vst v63  }
0x7e: {  	_ =	swait.ge [sflag:s22], $0x4000  }
0x7f: {  	[sflag:s22] =	ssyncset.done $0x0  }
0x80: {  	s20 =	simm.s32 $0x3300;
	[sflag:s22] =	ssyncadd.s32 $0xFFFFC000  }
0x81: {  	[spmem:s3] =	stream.indirect.scatter.add.f32 [tilespmem:s17], [sflag:$0x7], $0x80, s20, s13, $0xb8;
	[tilespmem:$0x17800] =	vst v63  }
0x82: {  	_ =	swait.ge [sflag:s23], $0x4000  }
0x83: {  	[sflag:s23] =	ssyncset.done $0x0  }
0x84: {  	s30 =	simm.s32 $0x1800;
	[sflag:s23] =	ssyncadd.s32 $0xFFFFC000  }
0x85: {  	[tilespmem:s12], [sflag:$0x1] =	stream.indirect.gather [hbm4b:s2+s13], $0x80, s30, s13, $0xb8;
	[tilespmem:$0x17800] =	vst v63  }
0x86: {  	_ =	swait.ge [sflag:s24], $0x4000  }
0x87: {  	[sflag:s24] =	ssyncset.done $0x0  }
0x88: {  	[sflag:s24] =	ssyncadd.s32 $0xFFFFC000  }
0x89: {  	[spmem:s3] =	stream.indirect.scatter.add.f32 [tilespmem:s21], [sflag:$0x8], $0x80, s31, s13, $0xb8;
	[tilespmem:$0x17800] =	vst v63  }
0x8a: {  	_ =	swait.ge [sflag:s25], $0x4000  }
0x8b: {  	[sflag:s25] =	ssyncset.done $0x0  }
0x8c: {  	[sflag:s25] =	ssyncadd.s32 $0xFFFFC000  }
0x8d: {  	[tilespmem:s14], [sflag:$0x2] =	stream.indirect.gather [hbm4b:s2+s13], $0x80, s1, s13, $0xb8;
	[tilespmem:$0x17800] =	vst v63  }
0x8e: {  	_ =	swait.ge [sflag:s15], $0x4000  }
0x8f: {  	[sflag:s15] =	ssyncset.done $0x0  }
0x90: {  	[sflag:s15] =	ssyncadd.s32 $0xFFFFC000  }
0x91: {  	[spmem:s3] =	stream.indirect.scatter.add.f32 [tilespmem:s12], [sflag:$0x5], $0x80, s16, s13, $0xb8;
	[tilespmem:$0x17800] =	vst v63  }
0x92: {  	_ =	swait.ge [sflag:s18], $0x4000  }
0x93: {  	[sflag:s18] =	ssyncset.done $0x0  }
0x94: {  	[sflag:s18] =	ssyncadd.s32 $0xFFFFC000  }
0x95: {  	[spmem:s3] =	stream.indirect.scatter.add.f32 [tilespmem:s14], [sflag:$0x6], $0x80, s0, s13, $0xb8;
	[tilespmem:$0x17800] =	vst v63  }
0x96: {  	_ =	swait.ge [sflag:s23], $0x4000  }
0x97: {  	[sflag:s23] =	ssyncset.done $0x0  }
0x98: {  	[sflag:s23] =	ssyncadd.s32 $0xFFFFC000  }
0x99: {  	_ =	swait.ge [sflag:s25], $0x4000  }
0x9a: {  	[sflag:s25] =	ssyncset.done $0x0  }
0x9b: {  	[sflag:s25] =	ssyncadd.s32 $0xFFFFC000  }
0x9c: {  	_ =	swait.ge [sflag:s26], $0x4000  }
0x9d: {  	[sflag:s26] =	ssyncset.done $0x0  }
0x9e: {  	s29 =	stileid.u32;
	[sflag:s26] =	ssyncadd.s32 $0xFFFFC000  }
0x9f: {  	s19 =	sadd.s32 $0x1, s19;
	s20 =	sshll.u32 s29, $0x6;
	_ =	swait.ge [sflag:s28], $0x4000  }
0xa0: {  	p0 =	sne.s32 s19, s9;
	s20 =	sor.u32 $0x1C09, s20;
	[sflag:s28] =	ssyncset.done $0x0  }
.Ltmp2:
0xa1: {  	s30 =	sshrl.u32 s7, $0x3;
	[sflag:s28] =	ssyncadd.s32 $0xFFFFC000;
	(pc) =	sbr.rel @p0 .LBB2_1-.Ltmp2, $4  }
0xa2: {  	[hbm:s8], [sflag:s20] =	dma.local [spmem:s30], $0x800  }
0xa3: {  	_ =	swait.ge [sflag:s10], $0x800  }
0xa4: {  	[sflag:s10] =	ssyncset.done $0x0  }
0xa5: {  	[sflag:s10] =	ssyncadd.s32 $0xFFFFF800  }
0xa6: {  	_ =	sfence.sel $0x180000  }
0xa7: {  	[bflag:$0x0] =	sbarrier.arrive $0xFFFF  }
0xa8: {  	_ =	strace $0x90000047  }
0xa9: {  	s0 =	stileid.u32;
	[bflag:$0x2] =	sbarrier.arrive $0xFFFF  }
0xaa: {  	p0 =	sne.s32 s0, $0x0;
	s0 =	rddreg [dreg:$0x4]  }
0xab: {  	s0 =	sadd.s32 @!p0 $0x100000, s0  }
0xac: {  	[sflag:s0] =	ssyncadd.tile.s32 @!p0 $0x1;
	_ =	shalt  }
.Lfunc_end2:
_tile_overlayer_lowered:
.L_overlay_start_2:
0xad: {  	(tag) =	ssettag $0x2  }
0xae: {  	s0 =	rddreg [dreg:$0x0];
	s2 =	stileid.u32  }
0xaf: {  	s1 =	rddreg [dreg:$0x1];
	p0 =	sne.s32 s2, $0x0  }
0xb0: {  	s3 =	rddreg [dreg:$0x2];
	[bflag:$0x3] =	sbarrier.arrive $0xFFFF;
	s2 =	simm.s32 @!p0 $0x1C09  }
0xb1: {  	[timem:s3], [sflag:s2] =	dma.local @!p0 [hbm:s0], s1  }
0xb2: {  	s0 =	simm.s32 @!p0 $0x9  }
0xb3: {  	_ =	swait.ge @!p0 [sflag:s0], s1  }
0xb4: {  	s1 =	ssub.s32 @!p0 $0x0, s1;
	[sflag:s0] =	ssyncset.done @!p0 $0x0  }
0xb5: {  	[sflag:s0] =	ssyncadd.s32 @!p0 s1  }
0xb6: {  	[bflag:$0x3] =	sbarrier.arrive $0xFFFF  }
0xb7: {  	_ =	shalt  }

</sc_bundles>
